<compile_context>
chip_gen: v7x
topology: tpu7x:2x2x1
jax: 0.10.2.dev20260603
libtpu: 0.0.44.dev20260713+nightly
codegen_flags: <defaults>
</compile_context>

<pallas_src>
import functools

import jax
import jax.numpy as jnp
from jax import lax
from jax.experimental import pallas as pl
from jax.experimental.pallas import tpu as pltpu
from jax.experimental.pallas import tpu_sc as plsc

CHUNK = 128
NC = 2
NS = 16
BM = 256


def _sc_mesh():
    return plsc.VectorSubcoreMesh(core_axis_name="c", subcore_axis_name="s")


@functools.lru_cache(maxsize=None)
def _make_sc_deg(nchunks, n_pad, h):
    rows = n_pad // NS

    @functools.partial(
        pl.kernel,
        mesh=_sc_mesh(),
        out_type=jax.ShapeDtypeStruct((NC * n_pad, h), jnp.float32),
        scratch_types=[
            pltpu.VMEM((CHUNK,), jnp.int32),
            pltpu.VMEM((CHUNK, h), jnp.float32),
            pltpu.VMEM_SHARED((n_pad, h), jnp.float32),
        ],
    )
    def deg_kernel(dst_hbm, ones_hbm, zero_hbm, out_hbm, didx, ones_v, acc):
        c = lax.axis_index("c")
        s = lax.axis_index("s")
        wid = c * NS + s
        r0 = s * rows
        pltpu.sync_copy(ones_hbm, ones_v)
        pltpu.sync_copy(zero_hbm.at[pl.ds(r0, rows), :], acc.at[pl.ds(r0, rows), :])
        plsc.subcore_barrier()

        def body(g, carry):
            e0 = wid * (nchunks * CHUNK) + g * CHUNK
            pltpu.sync_copy(dst_hbm.at[pl.ds(e0, CHUNK)], didx)
            pltpu.sync_copy(ones_v, acc.at[didx], add=True)
            return carry

        lax.fori_loop(0, nchunks, body, 0)
        plsc.subcore_barrier()
        pltpu.sync_copy(acc.at[pl.ds(r0, rows), :],
                        out_hbm.at[pl.ds(c * n_pad + r0, rows), :])

    return deg_kernel


@functools.lru_cache(maxsize=None)
def _make_sc_scatter(nchunks, n_pad, h):
    rows = n_pad // NS

    @functools.partial(
        pl.kernel,
        mesh=_sc_mesh(),
        out_type=jax.ShapeDtypeStruct((NC * n_pad, h), jnp.float32),
        scratch_types=[
            pltpu.VMEM((CHUNK,), jnp.int32),
            pltpu.VMEM((CHUNK,), jnp.int32),
            pltpu.VMEM((CHUNK, h), jnp.float32),
            pltpu.VMEM_SHARED((n_pad, h), jnp.float32),
            pltpu.SemaphoreType.DMA,
        ],
    )
    def scatter_kernel(y_hbm, src_hbm, dst_hbm, zero_hbm, out_hbm,
                       sidx, didx, gbuf, acc, sem):
        c = lax.axis_index("c")
        s = lax.axis_index("s")
        wid = c * NS + s
        r0 = s * rows
        pltpu.sync_copy(zero_hbm.at[pl.ds(r0, rows), :], acc.at[pl.ds(r0, rows), :])
        plsc.subcore_barrier()

        def body(g, carry):
            e0 = wid * (nchunks * CHUNK) + g * CHUNK
            pltpu.sync_copy(src_hbm.at[pl.ds(e0, CHUNK)], sidx)
            pltpu.sync_copy(dst_hbm.at[pl.ds(e0, CHUNK)], didx)
            pltpu.async_copy(y_hbm.at[sidx], gbuf, sem).wait()
            pltpu.sync_copy(gbuf, acc.at[didx], add=True)
            return carry

        lax.fori_loop(0, nchunks, body, 0)
        plsc.subcore_barrier()
        pltpu.sync_copy(acc.at[pl.ds(r0, rows), :],
                        out_hbm.at[pl.ds(c * n_pad + r0, rows), :])

    return scatter_kernel


def _tc_prep(x_pad, w1, degp):
    n_pad, f = x_pad.shape
    h = w1.shape[1]
    nb = n_pad // BM

    def body(x_ref, w_ref, d0_ref, d1_ref, y_ref, dinv_ref):
        deg = jnp.maximum(d0_ref[...][:, 0:1] + d1_ref[...][:, 0:1], 1.0)
        dinv = lax.rsqrt(deg)
        xw = jnp.dot(x_ref[...], w_ref[...],
                     preferred_element_type=jnp.float32)
        y_ref[...] = xw * dinv
        dinv_ref[...] = dinv

    return pl.pallas_call(
        body,
        grid=(nb,),
        in_specs=[
            pl.BlockSpec((BM, f), lambda i: (i, 0)),
            pl.BlockSpec((f, h), lambda i: (0, 0)),
            pl.BlockSpec((BM, h), lambda i: (i, 0)),
            pl.BlockSpec((BM, h), lambda i: (i + nb, 0)),
        ],
        out_specs=[
            pl.BlockSpec((BM, h), lambda i: (i, 0)),
            pl.BlockSpec((BM, 1), lambda i: (i, 0)),
        ],
        out_shape=[
            jax.ShapeDtypeStruct((n_pad, h), jnp.float32),
            jax.ShapeDtypeStruct((n_pad, 1), jnp.float32),
        ],
    )(x_pad, w1, degp, degp)


def _tc_mid(p, dinv, b1, w2):
    n_pad = p.shape[0] // NC
    h = p.shape[1]
    nb = n_pad // BM

    def body(p0_ref, p1_ref, dinv_ref, b_ref, w_ref, y2_ref):
        t = dinv_ref[...] * (p0_ref[...] + p1_ref[...]) + b_ref[...]
        hh = jnp.maximum(t, 0.0)
        y2_ref[...] = jnp.dot(hh, w_ref[...],
                              preferred_element_type=jnp.float32) * dinv_ref[...]

    return pl.pallas_call(
        body,
        grid=(nb,),
        in_specs=[
            pl.BlockSpec((BM, h), lambda i: (i, 0)),
            pl.BlockSpec((BM, h), lambda i: (i + nb, 0)),
            pl.BlockSpec((BM, 1), lambda i: (i, 0)),
            pl.BlockSpec((1, h), lambda i: (0, 0)),
            pl.BlockSpec((h, h), lambda i: (0, 0)),
        ],
        out_specs=pl.BlockSpec((BM, h), lambda i: (i, 0)),
        out_shape=jax.ShapeDtypeStruct((n_pad, h), jnp.float32),
    )(p, p, dinv, b1, w2)


def _tc_final(q, dinv, b2, batch_row, wlin, blin, g):
    n_pad = q.shape[0] // NC
    h = q.shape[1]
    nb = n_pad // BM

    def body(q0_ref, q1_ref, dinv_ref, b_ref, batch_ref, wlin_ref, blin_ref,
             out_ref, s_acc, c_acc):
        i = pl.program_id(0)

        @pl.when(i == 0)
        def _():
            s_acc[...] = jnp.zeros_like(s_acc)
            c_acc[...] = jnp.zeros_like(c_acc)

        t = dinv_ref[...] * (q0_ref[...] + q1_ref[...]) + b_ref[...]
        h2 = jnp.maximum(t, 0.0)
        seg = lax.broadcasted_iota(jnp.int32, (g, BM), 0)
        oh = (seg == batch_ref[...]).astype(jnp.float32)
        s_acc[...] += lax.dot_general(
            oh, h2, (((1,), (0,)), ((), ())),
            preferred_element_type=jnp.float32,
            precision=lax.Precision.HIGHEST)
        c_acc[...] += jnp.sum(oh, axis=1)[:, None]

        @pl.when(i == nb - 1)
        def _():
            pooled = s_acc[...] / jnp.maximum(c_acc[...], 1.0)
            out_ref[...] = jnp.dot(pooled, wlin_ref[...],
                                   preferred_element_type=jnp.float32) + blin_ref[...]

    return pl.pallas_call(
        body,
        grid=(nb,),
        in_specs=[
            pl.BlockSpec((BM, h), lambda i: (i, 0)),
            pl.BlockSpec((BM, h), lambda i: (i + nb, 0)),
            pl.BlockSpec((BM, 1), lambda i: (i, 0)),
            pl.BlockSpec((1, h), lambda i: (0, 0)),
            pl.BlockSpec((1, BM), lambda i: (0, i)),
            pl.BlockSpec((h, 1), lambda i: (0, 0)),
            pl.BlockSpec((1, 1), lambda i: (0, 0)),
        ],
        out_specs=pl.BlockSpec((g, 1), lambda i: (0, 0)),
        out_shape=jax.ShapeDtypeStruct((g, 1), jnp.float32),
        scratch_shapes=[
            pltpu.VMEM((g, h), jnp.float32),
            pltpu.VMEM((g, 1), jnp.float32),
        ],
    )(q, q, dinv, b2, batch_row, wlin, blin)


def _round_up(a, b):
    return -(-a // b) * b


def kernel(x, edge_index, batch, W1, b1, W2, b2, Wlin, blin):
    n, f = x.shape
    h = W1.shape[1]
    e = edge_index.shape[1]
    g = 64
    nt = NC * NS

    n_pad = _round_up(n + 1, BM)
    e2 = e + n
    per_tile = _round_up(-(-e2 // nt), CHUNK)
    ep = per_tile * nt
    nchunks = per_tile // CHUNK

    idt = jnp.int32
    loop = jnp.arange(n, dtype=idt)
    pad = ep - e2
    src_pad = jnp.concatenate(
        [edge_index[0].astype(idt), loop, jnp.zeros((pad,), idt)])
    dst_fill = n + jnp.arange(pad, dtype=idt) % (n_pad - n)
    dst_pad = jnp.concatenate(
        [edge_index[1].astype(idt), loop, dst_fill])

    x_pad = jnp.pad(x, ((0, n_pad - n), (0, 0)))
    batch_row = jnp.pad(batch.astype(idt), (0, n_pad - n), constant_values=g)[None, :]
    ones128 = jnp.ones((CHUNK, h), jnp.float32)
    z128 = jnp.zeros((n_pad, h), jnp.float32)

    degp = _make_sc_deg(nchunks, n_pad, h)(dst_pad, ones128, z128)
    y1, dinv = _tc_prep(x_pad, W1, degp)

    scat = _make_sc_scatter(nchunks, n_pad, h)
    p = scat(y1, src_pad, dst_pad, z128)
    y2 = _tc_mid(p, dinv, b1.reshape(1, h), W2)
    q = scat(y2, src_pad, dst_pad, z128)
    return _tc_final(q, dinv, b2.reshape(1, h), batch_row, Wlin, blin.reshape(1, 1), g)

# --- scband reference (transcript-rebuilt; emitter-appended) ---
"""Pipeline reference for scband-gcn-3745211482328 (READ-ONLY COPY).

The authoritative reference and input builder live on the scoring server;
editing this copy changes nothing except your own understanding.
"""

import jax, jax.numpy as jnp
import numpy as np

N = 10000
E = 320000
F_IN = 128
H = 128
G = 64


def setup_inputs(seed: int = 0) -> dict:
    key = jax.random.key(seed)
    ks = jax.random.split(key, 10)
    x = jax.random.normal(ks[0], (N, F_IN), dtype=jnp.float32)
    edge_index = jax.random.randint(ks[1], (2, E), 0, N)
    batch = jnp.sort(jax.random.randint(ks[2], (N,), 0, G))
    W1 = jax.random.normal(ks[3], (F_IN, H), dtype=jnp.float32) * (1.0 / np.sqrt(F_IN))
    b1 = jnp.zeros((H,), dtype=jnp.float32)
    W2 = jax.random.normal(ks[4], (H, H), dtype=jnp.float32) * (1.0 / np.sqrt(H))
    b2 = jnp.zeros((H,), dtype=jnp.float32)
    Wlin = jax.random.normal(ks[5], (H, 1), dtype=jnp.float32) * (1.0 / np.sqrt(H))
    blin = jnp.zeros((1,), dtype=jnp.float32)
    return {"x": x, "edge_index": edge_index, "batch": batch,
            "W1": W1, "b1": b1, "W2": W2, "b2": b2, "Wlin": Wlin, "blin": blin}


def _gcn_conv(x, src, dst, W, b, num_nodes):
    # PyG GCNConv with symmetric normalization (self-loops already appended to src/dst)
    xw = x @ W
    deg = jnp.zeros((num_nodes,), dtype=xw.dtype).at[dst].add(1.0)
    dinv = jnp.where(deg > 0, jax.lax.rsqrt(deg), 0.0)
    norm = dinv[src] * dinv[dst]
    msg = xw[src] * norm[:, None]
    out = jnp.zeros((num_nodes, xw.shape[1]), dtype=xw.dtype).at[dst].add(msg)
    return out + b


def reference(x, edge_index, batch, W1, b1, W2, b2, Wlin, blin):
    num_nodes = x.shape[0]
    loop = jnp.arange(num_nodes, dtype=edge_index.dtype)
    src = jnp.concatenate([edge_index[0], loop])
    dst = jnp.concatenate([edge_index[1], loop])

    h = jax.nn.relu(_gcn_conv(x, src, dst, W1, b1, num_nodes))
    h = jax.nn.relu(_gcn_conv(h, src, dst, W2, b2, num_nodes))

    # global_mean_pool over batch segment ids
    sums = jax.ops.segment_sum(h, batch, num_segments=G)
    counts = jax.ops.segment_sum(jnp.ones((num_nodes,), dtype=h.dtype), batch, num_segments=G)
    pooled = sums / jnp.clip(counts, 1.0)[:, None]

    return pooled @ Wlin + blin

if __name__ == "__main__":
    import jax
    _d = setup_inputs()
    print(jax.jit(kernel)(*tuple(_d.values())))

</pallas_src>

<mosaic_0001>
#map = affine_map<(d0, d1) -> (0)>
#map1 = affine_map<(d0, d1) -> (0, 0)>
module attributes {stable_mosaic.version = 14 : i64} {
  func.func @deg_kernel(%arg0: i32, %arg1: i32, %arg2: memref<331776xi32, #tpu.memory_space<hbm>>, %arg3: memref<128x128xf32, #tpu.memory_space<hbm>>, %arg4: memref<10240x128xf32, #tpu.memory_space<hbm>>, %arg5: memref<20480x128xf32, #tpu.memory_space<hbm>>, %arg6: memref<128xi32, #tpu.memory_space<vmem>>, %arg7: memref<128x128xf32, #tpu.memory_space<vmem>>, %arg8: memref<10240x128xf32, #tpu.memory_space<vmem_shared>>) attributes {dimension_semantics = [#tpu.dimension_semantics<core_parallel>, #tpu.dimension_semantics<subcore_parallel>], iteration_bounds = array<i64: 2, 16>, scalar_prefetch = 0 : i64, scratch_operands = 3 : i64, tpu.core_type = #tpu.core_type<sc_vector_subcore>, window_params = [{transform_indices = #map}, {transform_indices = #map1}, {transform_indices = #map1}, {transform_indices = #map1}]} {
    %mul3A = arith.constant 16 : i32
    %mul3A_0 = arith.muli %arg0, %mul3A : i32
    %add3A = arith.addi %mul3A_0, %arg1 : i32
    %mul3A_1 = arith.constant 640 : i32
    %mul3A_2 = arith.muli %arg1, %mul3A_1 : i32
    "tpu.region"() ({
      %run_scoped3A = tpu.sem_alloc : memref<!tpu.dma_semaphore, #tpu.memory_space<semaphore_mem>>
      tpu.enqueue_dma source(%arg3 : memref<128x128xf32, #tpu.memory_space<hbm>>) target(%arg7 : memref<128x128xf32, #tpu.memory_space<vmem>>) target_semaphore(%run_scoped3A : memref<!tpu.dma_semaphore, #tpu.memory_space<semaphore_mem>>)
      tpu.wait_dma2 semaphore(%run_scoped3A : memref<!tpu.dma_semaphore, #tpu.memory_space<semaphore_mem>>) src(%arg3 : memref<128x128xf32, #tpu.memory_space<hbm>>) dst(%arg7 : memref<128x128xf32, #tpu.memory_space<vmem>>)
      tpu.yield
    }) : () -> ()
    "tpu.region"() ({
      %run_scoped3A = tpu.sem_alloc : memref<!tpu.dma_semaphore, #tpu.memory_space<semaphore_mem>>
      %dma_start3A = arith.constant 0 : i32
      %dma_start3A_12 = tpu.memref_slice %arg8[%mul3A_2, %dma_start3A] : memref<10240x128xf32, #tpu.memory_space<vmem_shared>> -> memref<640x128xf32, #tpu.memory_space<vmem_shared>>
      %dma_start3A_13 = arith.constant 0 : i32
      %dma_start3A_14 = tpu.memref_slice %arg4[%mul3A_2, %dma_start3A_13] : memref<10240x128xf32, #tpu.memory_space<hbm>> -> memref<640x128xf32, #tpu.memory_space<hbm>>
      tpu.enqueue_dma source(%dma_start3A_14 : memref<640x128xf32, #tpu.memory_space<hbm>>) target(%dma_start3A_12 : memref<640x128xf32, #tpu.memory_space<vmem_shared>>) target_semaphore(%run_scoped3A : memref<!tpu.dma_semaphore, #tpu.memory_space<semaphore_mem>>)
      %dma_wait3A = arith.constant 0 : i32
      %dma_wait3A_15 = tpu.memref_slice %arg8[%mul3A_2, %dma_wait3A] : memref<10240x128xf32, #tpu.memory_space<vmem_shared>> -> memref<640x128xf32, #tpu.memory_space<vmem_shared>>
      %dma_wait3A_16 = arith.constant 0 : i32
      %dma_wait3A_17 = tpu.memref_slice %arg4[%mul3A_2, %dma_wait3A_16] : memref<10240x128xf32, #tpu.memory_space<hbm>> -> memref<640x128xf32, #tpu.memory_space<hbm>>
      tpu.wait_dma2 semaphore(%run_scoped3A : memref<!tpu.dma_semaphore, #tpu.memory_space<semaphore_mem>>) src(%dma_wait3A_17 : memref<640x128xf32, #tpu.memory_space<hbm>>) dst(%dma_wait3A_15 : memref<640x128xf32, #tpu.memory_space<vmem_shared>>)
      tpu.yield
    }) : () -> ()
    %barrier3A = arith.constant 0 : index
    tpu.barrier barrier_id(%barrier3A)
    %scan3A = arith.constant 0 : i32
    %scan3A_3 = arith.constant 0 : i32
    %scan3A_4 = arith.constant 81 : i32
    %scan3A_5 = arith.addi %scan3A_3, %scan3A_4 : i32
    %scan3A_6 = arith.constant 1 : i32
    scf.for %scan3A_12 = %scan3A_3 to %scan3A_5 step %scan3A_6  : i32 {
      %mul3A_13 = arith.constant 10368 : i32
      %mul3A_14 = arith.muli %add3A, %mul3A_13 : i32
      %mul3A_15 = arith.constant 128 : i32
      %mul3A_16 = arith.muli %scan3A_12, %mul3A_15 : i32
      %add3A_17 = arith.addi %mul3A_14, %mul3A_16 : i32
      "tpu.region"() ({
        %run_scoped3A = tpu.sem_alloc : memref<!tpu.dma_semaphore, #tpu.memory_space<semaphore_mem>>
        %dma_start3A = tpu.memref_slice %arg2[%add3A_17] : memref<331776xi32, #tpu.memory_space<hbm>> -> memref<128xi32, #tpu.memory_space<hbm>>
        %dma_start3A_18 = tpu.memref_slice %arg2[%add3A_17] : memref<331776xi32, #tpu.memory_space<hbm>> -> memref<128xi32, #tpu.memory_space<hbm>>
        tpu.enqueue_dma source(%dma_start3A_18 : memref<128xi32, #tpu.memory_space<hbm>>) target(%arg6 : memref<128xi32, #tpu.memory_space<vmem>>) target_semaphore(%run_scoped3A : memref<!tpu.dma_semaphore, #tpu.memory_space<semaphore_mem>>)
        %dma_wait3A = tpu.memref_slice %arg2[%add3A_17] : memref<331776xi32, #tpu.memory_space<hbm>> -> memref<128xi32, #tpu.memory_space<hbm>>
        %dma_wait3A_19 = tpu.memref_slice %arg2[%add3A_17] : memref<331776xi32, #tpu.memory_space<hbm>> -> memref<128xi32, #tpu.memory_space<hbm>>
        tpu.wait_dma2 semaphore(%run_scoped3A : memref<!tpu.dma_semaphore, #tpu.memory_space<semaphore_mem>>) src(%dma_wait3A_19 : memref<128xi32, #tpu.memory_space<hbm>>) dst(%arg6 : memref<128xi32, #tpu.memory_space<vmem>>)
        tpu.yield
      }) : () -> ()
      "tpu.region"() ({
        %run_scoped3A = tpu.sem_alloc : memref<!tpu.dma_semaphore, #tpu.memory_space<semaphore_mem>>
        %dma_start3A = arith.constant 0 : i32
        %dma_start3A_18 = arith.constant 0 : i32
        %dma_start3A_19 = tpu.memref_slice %arg8[%dma_start3A, %dma_start3A_18] : memref<10240x128xf32, #tpu.memory_space<vmem_shared>> -> memref<10240x128xf32, #tpu.memory_space<vmem_shared>>
        tpu.enqueue_indirect_dma source(%arg7 : memref<128x128xf32, #tpu.memory_space<vmem>>) target(%dma_start3A_19 : memref<10240x128xf32, #tpu.memory_space<vmem_shared>>) offsets(%arg6 : memref<128xi32, #tpu.memory_space<vmem>>) semaphore(%run_scoped3A : memref<!tpu.dma_semaphore, #tpu.memory_space<semaphore_mem>>) {add = true}
        %dma_wait3A = arith.constant 0 : i32
        %dma_wait3A_20 = arith.constant 0 : i32
        %dma_wait3A_21 = tpu.memref_slice %arg8[%dma_wait3A, %dma_wait3A_20] : memref<10240x128xf32, #tpu.memory_space<vmem_shared>> -> memref<10240x128xf32, #tpu.memory_space<vmem_shared>>
        tpu.wait_indirect_dma semaphore(%run_scoped3A : memref<!tpu.dma_semaphore, #tpu.memory_space<semaphore_mem>>) src(%arg7 : memref<128x128xf32, #tpu.memory_space<vmem>>) dst(%dma_wait3A_21 : memref<10240x128xf32, #tpu.memory_space<vmem_shared>>)
        tpu.yield
      }) : () -> ()
    }
    %scan3A_7 = arith.constant 81 : i32
    %barrier3A_8 = arith.constant 0 : index
    tpu.barrier barrier_id(%barrier3A_8)
    %mul3A_9 = arith.constant 10240 : i32
    %mul3A_10 = arith.muli %arg0, %mul3A_9 : i32
    %add3A_11 = arith.addi %mul3A_10, %mul3A_2 : i32
    "tpu.region"() ({
      %run_scoped3A = tpu.sem_alloc : memref<!tpu.dma_semaphore, #tpu.memory_space<semaphore_mem>>
      %dma_start3A = arith.constant 0 : i32
      %dma_start3A_12 = tpu.memref_slice %arg5[%add3A_11, %dma_start3A] : memref<20480x128xf32, #tpu.memory_space<hbm>> -> memref<640x128xf32, #tpu.memory_space<hbm>>
      %dma_start3A_13 = arith.constant 0 : i32
      %dma_start3A_14 = tpu.memref_slice %arg8[%mul3A_2, %dma_start3A_13] : memref<10240x128xf32, #tpu.memory_space<vmem_shared>> -> memref<640x128xf32, #tpu.memory_space<vmem_shared>>
      tpu.enqueue_dma source(%dma_start3A_14 : memref<640x128xf32, #tpu.memory_space<vmem_shared>>) target(%dma_start3A_12 : memref<640x128xf32, #tpu.memory_space<hbm>>) target_semaphore(%run_scoped3A : memref<!tpu.dma_semaphore, #tpu.memory_space<semaphore_mem>>)
      %dma_wait3A = arith.constant 0 : i32
      %dma_wait3A_15 = tpu.memref_slice %arg5[%add3A_11, %dma_wait3A] : memref<20480x128xf32, #tpu.memory_space<hbm>> -> memref<640x128xf32, #tpu.memory_space<hbm>>
      %dma_wait3A_16 = arith.constant 0 : i32
      %dma_wait3A_17 = tpu.memref_slice %arg8[%mul3A_2, %dma_wait3A_16] : memref<10240x128xf32, #tpu.memory_space<vmem_shared>> -> memref<640x128xf32, #tpu.memory_space<vmem_shared>>
      tpu.wait_dma2 semaphore(%run_scoped3A : memref<!tpu.dma_semaphore, #tpu.memory_space<semaphore_mem>>) src(%dma_wait3A_17 : memref<640x128xf32, #tpu.memory_space<vmem_shared>>) dst(%dma_wait3A_15 : memref<640x128xf32, #tpu.memory_space<hbm>>)
      tpu.yield
    }) : () -> ()
    return
  }
}

#map = affine_map<(d0, d1) -> (0, 0)>
#map1 = affine_map<(d0, d1) -> (0)>
module attributes {stable_mosaic.version = 14 : i64} {
  func.func @scatter_kernel(%arg0: i32, %arg1: i32, %arg2: memref<10240x128xf32, #tpu.memory_space<hbm>>, %arg3: memref<331776xi32, #tpu.memory_space<hbm>>, %arg4: memref<331776xi32, #tpu.memory_space<hbm>>, %arg5: memref<10240x128xf32, #tpu.memory_space<hbm>>, %arg6: memref<20480x128xf32, #tpu.memory_space<hbm>>, %arg7: memref<128xi32, #tpu.memory_space<vmem>>, %arg8: memref<128xi32, #tpu.memory_space<vmem>>, %arg9: memref<128x128xf32, #tpu.memory_space<vmem>>, %arg10: memref<10240x128xf32, #tpu.memory_space<vmem_shared>>, %arg11: memref<!tpu.dma_semaphore, #tpu.memory_space<semaphore_mem>>) attributes {dimension_semantics = [#tpu.dimension_semantics<core_parallel>, #tpu.dimension_semantics<subcore_parallel>], iteration_bounds = array<i64: 2, 16>, scalar_prefetch = 0 : i64, scratch_operands = 5 : i64, tpu.core_type = #tpu.core_type<sc_vector_subcore>, window_params = [{transform_indices = #map}, {transform_indices = #map1}, {transform_indices = #map1}, {transform_indices = #map}, {transform_indices = #map}]} {
    %mul3A = arith.constant 16 : i32
    %mul3A_0 = arith.muli %arg0, %mul3A : i32
    %add3A = arith.addi %mul3A_0, %arg1 : i32
    %mul3A_1 = arith.constant 640 : i32
    %mul3A_2 = arith.muli %arg1, %mul3A_1 : i32
    "tpu.region"() ({
      %run_scoped3A = tpu.sem_alloc : memref<!tpu.dma_semaphore, #tpu.memory_space<semaphore_mem>>
      %dma_start3A = arith.constant 0 : i32
      %dma_start3A_12 = tpu.memref_slice %arg10[%mul3A_2, %dma_start3A] : memref<10240x128xf32, #tpu.memory_space<vmem_shared>> -> memref<640x128xf32, #tpu.memory_space<vmem_shared>>
      %dma_start3A_13 = arith.constant 0 : i32
      %dma_start3A_14 = tpu.memref_slice %arg5[%mul3A_2, %dma_start3A_13] : memref<10240x128xf32, #tpu.memory_space<hbm>> -> memref<640x128xf32, #tpu.memory_space<hbm>>
      tpu.enqueue_dma source(%dma_start3A_14 : memref<640x128xf32, #tpu.memory_space<hbm>>) target(%dma_start3A_12 : memref<640x128xf32, #tpu.memory_space<vmem_shared>>) target_semaphore(%run_scoped3A : memref<!tpu.dma_semaphore, #tpu.memory_space<semaphore_mem>>)
      %dma_wait3A = arith.constant 0 : i32
      %dma_wait3A_15 = tpu.memref_slice %arg10[%mul3A_2, %dma_wait3A] : memref<10240x128xf32, #tpu.memory_space<vmem_shared>> -> memref<640x128xf32, #tpu.memory_space<vmem_shared>>
      %dma_wait3A_16 = arith.constant 0 : i32
      %dma_wait3A_17 = tpu.memref_slice %arg5[%mul3A_2, %dma_wait3A_16] : memref<10240x128xf32, #tpu.memory_space<hbm>> -> memref<640x128xf32, #tpu.memory_space<hbm>>
      tpu.wait_dma2 semaphore(%run_scoped3A : memref<!tpu.dma_semaphore, #tpu.memory_space<semaphore_mem>>) src(%dma_wait3A_17 : memref<640x128xf32, #tpu.memory_space<hbm>>) dst(%dma_wait3A_15 : memref<640x128xf32, #tpu.memory_space<vmem_shared>>)
      tpu.yield
    }) : () -> ()
    %barrier3A = arith.constant 0 : index
    tpu.barrier barrier_id(%barrier3A)
    %scan3A = arith.constant 0 : i32
    %scan3A_3 = arith.constant 0 : i32
    %scan3A_4 = arith.constant 81 : i32
    %scan3A_5 = arith.addi %scan3A_3, %scan3A_4 : i32
    %scan3A_6 = arith.constant 1 : i32
    scf.for %scan3A_12 = %scan3A_3 to %scan3A_5 step %scan3A_6  : i32 {
      %mul3A_13 = arith.constant 10368 : i32
      %mul3A_14 = arith.muli %add3A, %mul3A_13 : i32
      %mul3A_15 = arith.constant 128 : i32
      %mul3A_16 = arith.muli %scan3A_12, %mul3A_15 : i32
      %add3A_17 = arith.addi %mul3A_14, %mul3A_16 : i32
      "tpu.region"() ({
        %run_scoped3A = tpu.sem_alloc : memref<!tpu.dma_semaphore, #tpu.memory_space<semaphore_mem>>
        %dma_start3A_22 = tpu.memref_slice %arg3[%add3A_17] : memref<331776xi32, #tpu.memory_space<hbm>> -> memref<128xi32, #tpu.memory_space<hbm>>
        %dma_start3A_23 = tpu.memref_slice %arg3[%add3A_17] : memref<331776xi32, #tpu.memory_space<hbm>> -> memref<128xi32, #tpu.memory_space<hbm>>
        tpu.enqueue_dma source(%dma_start3A_23 : memref<128xi32, #tpu.memory_space<hbm>>) target(%arg7 : memref<128xi32, #tpu.memory_space<vmem>>) target_semaphore(%run_scoped3A : memref<!tpu.dma_semaphore, #tpu.memory_space<semaphore_mem>>)
        %dma_wait3A_24 = tpu.memref_slice %arg3[%add3A_17] : memref<331776xi32, #tpu.memory_space<hbm>> -> memref<128xi32, #tpu.memory_space<hbm>>
        %dma_wait3A_25 = tpu.memref_slice %arg3[%add3A_17] : memref<331776xi32, #tpu.memory_space<hbm>> -> memref<128xi32, #tpu.memory_space<hbm>>
        tpu.wait_dma2 semaphore(%run_scoped3A : memref<!tpu.dma_semaphore, #tpu.memory_space<semaphore_mem>>) src(%dma_wait3A_25 : memref<128xi32, #tpu.memory_space<hbm>>) dst(%arg7 : memref<128xi32, #tpu.memory_space<vmem>>)
        tpu.yield
      }) : () -> ()
      "tpu.region"() ({
        %run_scoped3A = tpu.sem_alloc : memref<!tpu.dma_semaphore, #tpu.memory_space<semaphore_mem>>
        %dma_start3A_22 = tpu.memref_slice %arg4[%add3A_17] : memref<331776xi32, #tpu.memory_space<hbm>> -> memref<128xi32, #tpu.memory_space<hbm>>
        %dma_start3A_23 = tpu.memref_slice %arg4[%add3A_17] : memref<331776xi32, #tpu.memory_space<hbm>> -> memref<128xi32, #tpu.memory_space<hbm>>
        tpu.enqueue_dma source(%dma_start3A_23 : memref<128xi32, #tpu.memory_space<hbm>>) target(%arg8 : memref<128xi32, #tpu.memory_space<vmem>>) target_semaphore(%run_scoped3A : memref<!tpu.dma_semaphore, #tpu.memory_space<semaphore_mem>>)
        %dma_wait3A_24 = tpu.memref_slice %arg4[%add3A_17] : memref<331776xi32, #tpu.memory_space<hbm>> -> memref<128xi32, #tpu.memory_space<hbm>>
        %dma_wait3A_25 = tpu.memref_slice %arg4[%add3A_17] : memref<331776xi32, #tpu.memory_space<hbm>> -> memref<128xi32, #tpu.memory_space<hbm>>
        tpu.wait_dma2 semaphore(%run_scoped3A : memref<!tpu.dma_semaphore, #tpu.memory_space<semaphore_mem>>) src(%dma_wait3A_25 : memref<128xi32, #tpu.memory_space<hbm>>) dst(%arg8 : memref<128xi32, #tpu.memory_space<vmem>>)
        tpu.yield
      }) : () -> ()
      %dma_start3A = arith.constant 0 : i32
      %dma_start3A_18 = arith.constant 0 : i32
      %dma_start3A_19 = tpu.memref_slice %arg2[%dma_start3A, %dma_start3A_18] : memref<10240x128xf32, #tpu.memory_space<hbm>> -> memref<10240x128xf32, #tpu.memory_space<hbm>>
      tpu.enqueue_indirect_dma source(%dma_start3A_19 : memref<10240x128xf32, #tpu.memory_space<hbm>>) target(%arg9 : memref<128x128xf32, #tpu.memory_space<vmem>>) offsets(%arg7 : memref<128xi32, #tpu.memory_space<vmem>>) semaphore(%arg11 : memref<!tpu.dma_semaphore, #tpu.memory_space<semaphore_mem>>)
      %dma_wait3A = arith.constant 0 : i32
      %dma_wait3A_20 = arith.constant 0 : i32
      %dma_wait3A_21 = tpu.memref_slice %arg2[%dma_wait3A, %dma_wait3A_20] : memref<10240x128xf32, #tpu.memory_space<hbm>> -> memref<10240x128xf32, #tpu.memory_space<hbm>>
      tpu.wait_indirect_dma semaphore(%arg11 : memref<!tpu.dma_semaphore, #tpu.memory_space<semaphore_mem>>) src(%dma_wait3A_21 : memref<10240x128xf32, #tpu.memory_space<hbm>>) dst(%arg9 : memref<128x128xf32, #tpu.memory_space<vmem>>)
      "tpu.region"() ({
        %run_scoped3A = tpu.sem_alloc : memref<!tpu.dma_semaphore, #tpu.memory_space<semaphore_mem>>
        %dma_start3A_22 = arith.constant 0 : i32
        %dma_start3A_23 = arith.constant 0 : i32
        %dma_start3A_24 = tpu.memref_slice %arg10[%dma_start3A_22, %dma_start3A_23] : memref<10240x128xf32, #tpu.memory_space<vmem_shared>> -> memref<10240x128xf32, #tpu.memory_space<vmem_shared>>
        tpu.enqueue_indirect_dma source(%arg9 : memref<128x128xf32, #tpu.memory_space<vmem>>) target(%dma_start3A_24 : memref<10240x128xf32, #tpu.memory_space<vmem_shared>>) offsets(%arg8 : memref<128xi32, #tpu.memory_space<vmem>>) semaphore(%run_scoped3A : memref<!tpu.dma_semaphore, #tpu.memory_space<semaphore_mem>>) {add = true}
        %dma_wait3A_25 = arith.constant 0 : i32
        %dma_wait3A_26 = arith.constant 0 : i32
        %dma_wait3A_27 = tpu.memref_slice %arg10[%dma_wait3A_25, %dma_wait3A_26] : memref<10240x128xf32, #tpu.memory_space<vmem_shared>> -> memref<10240x128xf32, #tpu.memory_space<vmem_shared>>
        tpu.wait_indirect_dma semaphore(%run_scoped3A : memref<!tpu.dma_semaphore, #tpu.memory_space<semaphore_mem>>) src(%arg9 : memref<128x128xf32, #tpu.memory_space<vmem>>) dst(%dma_wait3A_27 : memref<10240x128xf32, #tpu.memory_space<vmem_shared>>)
        tpu.yield
      }) : () -> ()
    }
    %scan3A_7 = arith.constant 81 : i32
    %barrier3A_8 = arith.constant 0 : index
    tpu.barrier barrier_id(%barrier3A_8)
    %mul3A_9 = arith.constant 10240 : i32
    %mul3A_10 = arith.muli %arg0, %mul3A_9 : i32
    %add3A_11 = arith.addi %mul3A_10, %mul3A_2 : i32
    "tpu.region"() ({
      %run_scoped3A = tpu.sem_alloc : memref<!tpu.dma_semaphore, #tpu.memory_space<semaphore_mem>>
      %dma_start3A = arith.constant 0 : i32
      %dma_start3A_12 = tpu.memref_slice %arg6[%add3A_11, %dma_start3A] : memref<20480x128xf32, #tpu.memory_space<hbm>> -> memref<640x128xf32, #tpu.memory_space<hbm>>
      %dma_start3A_13 = arith.constant 0 : i32
      %dma_start3A_14 = tpu.memref_slice %arg10[%mul3A_2, %dma_start3A_13] : memref<10240x128xf32, #tpu.memory_space<vmem_shared>> -> memref<640x128xf32, #tpu.memory_space<vmem_shared>>
      tpu.enqueue_dma source(%dma_start3A_14 : memref<640x128xf32, #tpu.memory_space<vmem_shared>>) target(%dma_start3A_12 : memref<640x128xf32, #tpu.memory_space<hbm>>) target_semaphore(%run_scoped3A : memref<!tpu.dma_semaphore, #tpu.memory_space<semaphore_mem>>)
      %dma_wait3A = arith.constant 0 : i32
      %dma_wait3A_15 = tpu.memref_slice %arg6[%add3A_11, %dma_wait3A] : memref<20480x128xf32, #tpu.memory_space<hbm>> -> memref<640x128xf32, #tpu.memory_space<hbm>>
      %dma_wait3A_16 = arith.constant 0 : i32
      %dma_wait3A_17 = tpu.memref_slice %arg10[%mul3A_2, %dma_wait3A_16] : memref<10240x128xf32, #tpu.memory_space<vmem_shared>> -> memref<640x128xf32, #tpu.memory_space<vmem_shared>>
      tpu.wait_dma2 semaphore(%run_scoped3A : memref<!tpu.dma_semaphore, #tpu.memory_space<semaphore_mem>>) src(%dma_wait3A_17 : memref<640x128xf32, #tpu.memory_space<vmem_shared>>) dst(%dma_wait3A_15 : memref<640x128xf32, #tpu.memory_space<hbm>>)
      tpu.yield
    }) : () -> ()
    return
  }
}

#map = affine_map<(d0, d1) -> (0, 0)>
#map1 = affine_map<(d0, d1) -> (0)>
module attributes {stable_mosaic.version = 14 : i64} {
  func.func @scatter_kernel(%arg0: i32, %arg1: i32, %arg2: memref<10240x128xf32, #tpu.memory_space<hbm>>, %arg3: memref<331776xi32, #tpu.memory_space<hbm>>, %arg4: memref<331776xi32, #tpu.memory_space<hbm>>, %arg5: memref<10240x128xf32, #tpu.memory_space<hbm>>, %arg6: memref<20480x128xf32, #tpu.memory_space<hbm>>, %arg7: memref<128xi32, #tpu.memory_space<vmem>>, %arg8: memref<128xi32, #tpu.memory_space<vmem>>, %arg9: memref<128x128xf32, #tpu.memory_space<vmem>>, %arg10: memref<10240x128xf32, #tpu.memory_space<vmem_shared>>, %arg11: memref<!tpu.dma_semaphore, #tpu.memory_space<semaphore_mem>>) attributes {dimension_semantics = [#tpu.dimension_semantics<core_parallel>, #tpu.dimension_semantics<subcore_parallel>], iteration_bounds = array<i64: 2, 16>, scalar_prefetch = 0 : i64, scratch_operands = 5 : i64, tpu.core_type = #tpu.core_type<sc_vector_subcore>, window_params = [{transform_indices = #map}, {transform_indices = #map1}, {transform_indices = #map1}, {transform_indices = #map}, {transform_indices = #map}]} {
    %mul3A = arith.constant 16 : i32
    %mul3A_0 = arith.muli %arg0, %mul3A : i32
    %add3A = arith.addi %mul3A_0, %arg1 : i32
    %mul3A_1 = arith.constant 640 : i32
    %mul3A_2 = arith.muli %arg1, %mul3A_1 : i32
    "tpu.region"() ({
      %run_scoped3A = tpu.sem_alloc : memref<!tpu.dma_semaphore, #tpu.memory_space<semaphore_mem>>
      %dma_start3A = arith.constant 0 : i32
      %dma_start3A_12 = tpu.memref_slice %arg10[%mul3A_2, %dma_start3A] : memref<10240x128xf32, #tpu.memory_space<vmem_shared>> -> memref<640x128xf32, #tpu.memory_space<vmem_shared>>
      %dma_start3A_13 = arith.constant 0 : i32
      %dma_start3A_14 = tpu.memref_slice %arg5[%mul3A_2, %dma_start3A_13] : memref<10240x128xf32, #tpu.memory_space<hbm>> -> memref<640x128xf32, #tpu.memory_space<hbm>>
      tpu.enqueue_dma source(%dma_start3A_14 : memref<640x128xf32, #tpu.memory_space<hbm>>) target(%dma_start3A_12 : memref<640x128xf32, #tpu.memory_space<vmem_shared>>) target_semaphore(%run_scoped3A : memref<!tpu.dma_semaphore, #tpu.memory_space<semaphore_mem>>)
      %dma_wait3A = arith.constant 0 : i32
      %dma_wait3A_15 = tpu.memref_slice %arg10[%mul3A_2, %dma_wait3A] : memref<10240x128xf32, #tpu.memory_space<vmem_shared>> -> memref<640x128xf32, #tpu.memory_space<vmem_shared>>
      %dma_wait3A_16 = arith.constant 0 : i32
      %dma_wait3A_17 = tpu.memref_slice %arg5[%mul3A_2, %dma_wait3A_16] : memref<10240x128xf32, #tpu.memory_space<hbm>> -> memref<640x128xf32, #tpu.memory_space<hbm>>
      tpu.wait_dma2 semaphore(%run_scoped3A : memref<!tpu.dma_semaphore, #tpu.memory_space<semaphore_mem>>) src(%dma_wait3A_17 : memref<640x128xf32, #tpu.memory_space<hbm>>) dst(%dma_wait3A_15 : memref<640x128xf32, #tpu.memory_space<vmem_shared>>)
      tpu.yield
    }) : () -> ()
    %barrier3A = arith.constant 0 : index
    tpu.barrier barrier_id(%barrier3A)
    %scan3A = arith.constant 0 : i32
    %scan3A_3 = arith.constant 0 : i32
    %scan3A_4 = arith.constant 81 : i32
    %scan3A_5 = arith.addi %scan3A_3, %scan3A_4 : i32
    %scan3A_6 = arith.constant 1 : i32
    scf.for %scan3A_12 = %scan3A_3 to %scan3A_5 step %scan3A_6  : i32 {
      %mul3A_13 = arith.constant 10368 : i32
      %mul3A_14 = arith.muli %add3A, %mul3A_13 : i32
      %mul3A_15 = arith.constant 128 : i32
      %mul3A_16 = arith.muli %scan3A_12, %mul3A_15 : i32
      %add3A_17 = arith.addi %mul3A_14, %mul3A_16 : i32
      "tpu.region"() ({
        %run_scoped3A = tpu.sem_alloc : memref<!tpu.dma_semaphore, #tpu.memory_space<semaphore_mem>>
        %dma_start3A_22 = tpu.memref_slice %arg3[%add3A_17] : memref<331776xi32, #tpu.memory_space<hbm>> -> memref<128xi32, #tpu.memory_space<hbm>>
        %dma_start3A_23 = tpu.memref_slice %arg3[%add3A_17] : memref<331776xi32, #tpu.memory_space<hbm>> -> memref<128xi32, #tpu.memory_space<hbm>>
        tpu.enqueue_dma source(%dma_start3A_23 : memref<128xi32, #tpu.memory_space<hbm>>) target(%arg7 : memref<128xi32, #tpu.memory_space<vmem>>) target_semaphore(%run_scoped3A : memref<!tpu.dma_semaphore, #tpu.memory_space<semaphore_mem>>)
        %dma_wait3A_24 = tpu.memref_slice %arg3[%add3A_17] : memref<331776xi32, #tpu.memory_space<hbm>> -> memref<128xi32, #tpu.memory_space<hbm>>
        %dma_wait3A_25 = tpu.memref_slice %arg3[%add3A_17] : memref<331776xi32, #tpu.memory_space<hbm>> -> memref<128xi32, #tpu.memory_space<hbm>>
        tpu.wait_dma2 semaphore(%run_scoped3A : memref<!tpu.dma_semaphore, #tpu.memory_space<semaphore_mem>>) src(%dma_wait3A_25 : memref<128xi32, #tpu.memory_space<hbm>>) dst(%arg7 : memref<128xi32, #tpu.memory_space<vmem>>)
        tpu.yield
      }) : () -> ()
      "tpu.region"() ({
        %run_scoped3A = tpu.sem_alloc : memref<!tpu.dma_semaphore, #tpu.memory_space<semaphore_mem>>
        %dma_start3A_22 = tpu.memref_slice %arg4[%add3A_17] : memref<331776xi32, #tpu.memory_space<hbm>> -> memref<128xi32, #tpu.memory_space<hbm>>
        %dma_start3A_23 = tpu.memref_slice %arg4[%add3A_17] : memref<331776xi32, #tpu.memory_space<hbm>> -> memref<128xi32, #tpu.memory_space<hbm>>
        tpu.enqueue_dma source(%dma_start3A_23 : memref<128xi32, #tpu.memory_space<hbm>>) target(%arg8 : memref<128xi32, #tpu.memory_space<vmem>>) target_semaphore(%run_scoped3A : memref<!tpu.dma_semaphore, #tpu.memory_space<semaphore_mem>>)
        %dma_wait3A_24 = tpu.memref_slice %arg4[%add3A_17] : memref<331776xi32, #tpu.memory_space<hbm>> -> memref<128xi32, #tpu.memory_space<hbm>>
        %dma_wait3A_25 = tpu.memref_slice %arg4[%add3A_17] : memref<331776xi32, #tpu.memory_space<hbm>> -> memref<128xi32, #tpu.memory_space<hbm>>
        tpu.wait_dma2 semaphore(%run_scoped3A : memref<!tpu.dma_semaphore, #tpu.memory_space<semaphore_mem>>) src(%dma_wait3A_25 : memref<128xi32, #tpu.memory_space<hbm>>) dst(%arg8 : memref<128xi32, #tpu.memory_space<vmem>>)
        tpu.yield
      }) : () -> ()
      %dma_start3A = arith.constant 0 : i32
      %dma_start3A_18 = arith.constant 0 : i32
      %dma_start3A_19 = tpu.memref_slice %arg2[%dma_start3A, %dma_start3A_18] : memref<10240x128xf32, #tpu.memory_space<hbm>> -> memref<10240x128xf32, #tpu.memory_space<hbm>>
      tpu.enqueue_indirect_dma source(%dma_start3A_19 : memref<10240x128xf32, #tpu.memory_space<hbm>>) target(%arg9 : memref<128x128xf32, #tpu.memory_space<vmem>>) offsets(%arg7 : memref<128xi32, #tpu.memory_space<vmem>>) semaphore(%arg11 : memref<!tpu.dma_semaphore, #tpu.memory_space<semaphore_mem>>)
      %dma_wait3A = arith.constant 0 : i32
      %dma_wait3A_20 = arith.constant 0 : i32
      %dma_wait3A_21 = tpu.memref_slice %arg2[%dma_wait3A, %dma_wait3A_20] : memref<10240x128xf32, #tpu.memory_space<hbm>> -> memref<10240x128xf32, #tpu.memory_space<hbm>>
      tpu.wait_indirect_dma semaphore(%arg11 : memref<!tpu.dma_semaphore, #tpu.memory_space<semaphore_mem>>) src(%dma_wait3A_21 : memref<10240x128xf32, #tpu.memory_space<hbm>>) dst(%arg9 : memref<128x128xf32, #tpu.memory_space<vmem>>)
      "tpu.region"() ({
        %run_scoped3A = tpu.sem_alloc : memref<!tpu.dma_semaphore, #tpu.memory_space<semaphore_mem>>
        %dma_start3A_22 = arith.constant 0 : i32
        %dma_start3A_23 = arith.constant 0 : i32
        %dma_start3A_24 = tpu.memref_slice %arg10[%dma_start3A_22, %dma_start3A_23] : memref<10240x128xf32, #tpu.memory_space<vmem_shared>> -> memref<10240x128xf32, #tpu.memory_space<vmem_shared>>
        tpu.enqueue_indirect_dma source(%arg9 : memref<128x128xf32, #tpu.memory_space<vmem>>) target(%dma_start3A_24 : memref<10240x128xf32, #tpu.memory_space<vmem_shared>>) offsets(%arg8 : memref<128xi32, #tpu.memory_space<vmem>>) semaphore(%run_scoped3A : memref<!tpu.dma_semaphore, #tpu.memory_space<semaphore_mem>>) {add = true}
        %dma_wait3A_25 = arith.constant 0 : i32
        %dma_wait3A_26 = arith.constant 0 : i32
        %dma_wait3A_27 = tpu.memref_slice %arg10[%dma_wait3A_25, %dma_wait3A_26] : memref<10240x128xf32, #tpu.memory_space<vmem_shared>> -> memref<10240x128xf32, #tpu.memory_space<vmem_shared>>
        tpu.wait_indirect_dma semaphore(%run_scoped3A : memref<!tpu.dma_semaphore, #tpu.memory_space<semaphore_mem>>) src(%arg9 : memref<128x128xf32, #tpu.memory_space<vmem>>) dst(%dma_wait3A_27 : memref<10240x128xf32, #tpu.memory_space<vmem_shared>>)
        tpu.yield
      }) : () -> ()
    }
    %scan3A_7 = arith.constant 81 : i32
    %barrier3A_8 = arith.constant 0 : index
    tpu.barrier barrier_id(%barrier3A_8)
    %mul3A_9 = arith.constant 10240 : i32
    %mul3A_10 = arith.muli %arg0, %mul3A_9 : i32
    %add3A_11 = arith.addi %mul3A_10, %mul3A_2 : i32
    "tpu.region"() ({
      %run_scoped3A = tpu.sem_alloc : memref<!tpu.dma_semaphore, #tpu.memory_space<semaphore_mem>>
      %dma_start3A = arith.constant 0 : i32
      %dma_start3A_12 = tpu.memref_slice %arg6[%add3A_11, %dma_start3A] : memref<20480x128xf32, #tpu.memory_space<hbm>> -> memref<640x128xf32, #tpu.memory_space<hbm>>
      %dma_start3A_13 = arith.constant 0 : i32
      %dma_start3A_14 = tpu.memref_slice %arg10[%mul3A_2, %dma_start3A_13] : memref<10240x128xf32, #tpu.memory_space<vmem_shared>> -> memref<640x128xf32, #tpu.memory_space<vmem_shared>>
      tpu.enqueue_dma source(%dma_start3A_14 : memref<640x128xf32, #tpu.memory_space<vmem_shared>>) target(%dma_start3A_12 : memref<640x128xf32, #tpu.memory_space<hbm>>) target_semaphore(%run_scoped3A : memref<!tpu.dma_semaphore, #tpu.memory_space<semaphore_mem>>)
      %dma_wait3A = arith.constant 0 : i32
      %dma_wait3A_15 = tpu.memref_slice %arg6[%add3A_11, %dma_wait3A] : memref<20480x128xf32, #tpu.memory_space<hbm>> -> memref<640x128xf32, #tpu.memory_space<hbm>>
      %dma_wait3A_16 = arith.constant 0 : i32
      %dma_wait3A_17 = tpu.memref_slice %arg10[%mul3A_2, %dma_wait3A_16] : memref<10240x128xf32, #tpu.memory_space<vmem_shared>> -> memref<640x128xf32, #tpu.memory_space<vmem_shared>>
      tpu.wait_dma2 semaphore(%run_scoped3A : memref<!tpu.dma_semaphore, #tpu.memory_space<semaphore_mem>>) src(%dma_wait3A_17 : memref<640x128xf32, #tpu.memory_space<vmem_shared>>) dst(%dma_wait3A_15 : memref<640x128xf32, #tpu.memory_space<hbm>>)
      tpu.yield
    }) : () -> ()
    return
  }
}

module attributes {stable_mosaic.version = 14 : i64} {
  func.func @body(%arg0: i32, %arg1: memref<256x128xf32, #tpu.memory_space<vmem>>, %arg2: memref<256x128xf32, #tpu.memory_space<vmem>>, %arg3: memref<256x1xf32, #tpu.memory_space<vmem>>, %arg4: memref<1x128xf32, #tpu.memory_space<vmem>>, %arg5: memref<128x128xf32, #tpu.memory_space<vmem>>, %arg6: memref<256x128xf32, #tpu.memory_space<vmem>>) attributes {dimension_semantics = [#tpu.dimension_semantics<arbitrary>], iteration_bounds = array<i64: 40>, scalar_prefetch = 0 : i64, scratch_operands = 0 : i64, tpu.core_type = #tpu.core_type<tc>, window_params = [{transform_indices = @transform_0, window_bounds = array<i64: 256, 128>}, {transform_indices = @transform_1, window_bounds = array<i64: 256, 128>}, {transform_indices = @transform_2, window_bounds = array<i64: 256, 1>}, {pipeline_mode = #tpu.pipeline_mode<synchronous>, transform_indices = @transform_3, window_bounds = array<i64: 1, 128>}, {pipeline_mode = #tpu.pipeline_mode<synchronous>, transform_indices = @transform_4, window_bounds = array<i64: 128, 128>}, {transform_indices = @transform_5, window_bounds = array<i64: 256, 128>}]} {
    %get3A = arith.constant 0 : index
    %get3A_0 = arith.constant 0 : index
    %get3A_1 = vector.load %arg3[%get3A, %get3A_0] : memref<256x1xf32, #tpu.memory_space<vmem>>, vector<256x1xf32>
    %get3A_2 = arith.constant 0 : index
    %get3A_3 = arith.constant 0 : index
    %get3A_4 = vector.load %arg1[%get3A_2, %get3A_3] : memref<256x128xf32, #tpu.memory_space<vmem>>, vector<256x128xf32>
    %get3A_5 = arith.constant 0 : index
    %get3A_6 = arith.constant 0 : index
    %get3A_7 = vector.load %arg2[%get3A_5, %get3A_6] : memref<256x128xf32, #tpu.memory_space<vmem>>, vector<256x128xf32>
    %add3A = arith.addf %get3A_4, %get3A_7 : vector<256x128xf32>
    %mul3A = vector.broadcast %get3A_1 : vector<256x1xf32> to vector<256x128xf32>
    %mul3A_8 = arith.mulf %mul3A, %add3A : vector<256x128xf32>
    %get3A_9 = arith.constant 0 : index
    %get3A_10 = arith.constant 0 : index
    %get3A_11 = vector.load %arg4[%get3A_9, %get3A_10] : memref<1x128xf32, #tpu.memory_space<vmem>>, vector<1x128xf32>
    %add3A_12 = vector.broadcast %get3A_11 : vector<1x128xf32> to vector<256x128xf32>
    %add3A_13 = arith.addf %mul3A_8, %add3A_12 : vector<256x128xf32>
    %max3A = arith.constant 0.000000e+00 : f32
    %max3A_14 = vector.broadcast %max3A : f32 to vector<256x128xf32>
    %max3A_15 = arith.maximumf %add3A_13, %max3A_14 : vector<256x128xf32>
    %get3A_16 = arith.constant 0 : index
    %get3A_17 = arith.constant 0 : index
    %get3A_18 = vector.load %arg5[%get3A_16, %get3A_17] : memref<128x128xf32, #tpu.memory_space<vmem>>, vector<128x128xf32>
    %dot_general3A = arith.constant dense<0.000000e+00> : vector<256x128xf32>
    %dot_general3A_19 = tpu.matmul %max3A_15, %get3A_18, %dot_general3A {dimension_numbers = #tpu.dot_dimension_numbers<[1], [0], [0], [1], [0, 0, 1, 1], [], []>, transpose_lhs_hint = false} : vector<256x128xf32>, vector<128x128xf32>, vector<256x128xf32> -> vector<256x128xf32>
    %get3A_20 = arith.constant 0 : index
    %get3A_21 = arith.constant 0 : index
    %get3A_22 = vector.load %arg3[%get3A_20, %get3A_21] : memref<256x1xf32, #tpu.memory_space<vmem>>, vector<256x1xf32>
    %mul3A_23 = vector.broadcast %get3A_22 : vector<256x1xf32> to vector<256x128xf32>
    %mul3A_24 = arith.mulf %dot_general3A_19, %mul3A_23 : vector<256x128xf32>
    %swap3A = arith.constant 0 : index
    %swap3A_25 = arith.constant 0 : index
    %swap3A_26 = vector.load %arg6[%swap3A, %swap3A_25] : memref<256x128xf32, #tpu.memory_space<vmem>>, vector<256x128xf32>
    tpu.vector_store %arg6[%swap3A, %swap3A_25], %mul3A_24 {strides = array<i32>} : memref<256x128xf32, #tpu.memory_space<vmem>>, vector<256x128xf32>,
    return
  }
  func.func @transform_0(%arg0: i32) -> (i32, i32) {
    %c0_i32 = arith.constant 0 : i32
    %c0_i32_0 = arith.constant 0 : i32
    return %arg0, %c0_i32 : i32, i32
  }
  func.func @transform_1(%arg0: i32) -> (i32, i32) {
    %add3A = arith.constant 40 : i32
    %add3A_0 = arith.addi %arg0, %add3A : i32
    %c0_i32 = arith.constant 0 : i32
    %c0_i32_1 = arith.constant 0 : i32
    return %add3A_0, %c0_i32 : i32, i32
  }
  func.func @transform_2(%arg0: i32) -> (i32, i32) {
    %c0_i32 = arith.constant 0 : i32
    %c0_i32_0 = arith.constant 0 : i32
    return %arg0, %c0_i32 : i32, i32
  }
  func.func @transform_3(%arg0: i32) -> (i32, i32) {
    %c0_i32 = arith.constant 0 : i32
    %c0_i32_0 = arith.constant 0 : i32
    %c0_i32_1 = arith.constant 0 : i32
    return %c0_i32, %c0_i32_0 : i32, i32
  }
  func.func @transform_4(%arg0: i32) -> (i32, i32) {
    %c0_i32 = arith.constant 0 : i32
    %c0_i32_0 = arith.constant 0 : i32
    %c0_i32_1 = arith.constant 0 : i32
    return %c0_i32, %c0_i32_0 : i32, i32
  }
  func.func @transform_5(%arg0: i32) -> (i32, i32) {
    %c0_i32 = arith.constant 0 : i32
    %c0_i32_0 = arith.constant 0 : i32
    return %arg0, %c0_i32 : i32, i32
  }
}

module attributes {stable_mosaic.version = 14 : i64} {
  func.func @body(%arg0: i32, %arg1: memref<256x128xf32, #tpu.memory_space<vmem>>, %arg2: memref<128x128xf32, #tpu.memory_space<vmem>>, %arg3: memref<256x128xf32, #tpu.memory_space<vmem>>, %arg4: memref<256x128xf32, #tpu.memory_space<vmem>>, %arg5: memref<256x128xf32, #tpu.memory_space<vmem>>, %arg6: memref<256x1xf32, #tpu.memory_space<vmem>>) attributes {dimension_semantics = [#tpu.dimension_semantics<arbitrary>], iteration_bounds = array<i64: 40>, scalar_prefetch = 0 : i64, scratch_operands = 0 : i64, tpu.core_type = #tpu.core_type<tc>, window_params = [{transform_indices = @transform_0, window_bounds = array<i64: 256, 128>}, {pipeline_mode = #tpu.pipeline_mode<synchronous>, transform_indices = @transform_1, window_bounds = array<i64: 128, 128>}, {transform_indices = @transform_2, window_bounds = array<i64: 256, 128>}, {transform_indices = @transform_3, window_bounds = array<i64: 256, 128>}, {transform_indices = @transform_4, window_bounds = array<i64: 256, 128>}, {transform_indices = @transform_5, window_bounds = array<i64: 256, 1>}]} {
    %get3A = arith.constant 0 : index
    %get3A_0 = arith.constant 0 : index
    %get3A_1 = vector.load %arg3[%get3A, %get3A_0] : memref<256x128xf32, #tpu.memory_space<vmem>>, vector<256x128xf32>
    %slice3A = vector.extract_strided_slice %get3A_1 {offsets = [0, 0], sizes = [256, 1], strides = [1, 1]} : vector<256x128xf32> to vector<256x1xf32>
    %get3A_2 = arith.constant 0 : index
    %get3A_3 = arith.constant 0 : index
    %get3A_4 = vector.load %arg4[%get3A_2, %get3A_3] : memref<256x128xf32, #tpu.memory_space<vmem>>, vector<256x128xf32>
    %slice3A_5 = vector.extract_strided_slice %get3A_4 {offsets = [0, 0], sizes = [256, 1], strides = [1, 1]} : vector<256x128xf32> to vector<256x1xf32>
    %add3A = arith.addf %slice3A, %slice3A_5 : vector<256x1xf32>
    %max3A = arith.constant 1.000000e+00 : f32
    %max3A_6 = vector.broadcast %max3A : f32 to vector<256x1xf32>
    %max3A_7 = arith.maximumf %add3A, %max3A_6 : vector<256x1xf32>
    %rsqrt3A = math.rsqrt %max3A_7 : vector<256x1xf32>
    %get3A_8 = arith.constant 0 : index
    %get3A_9 = arith.constant 0 : index
    %get3A_10 = vector.load %arg1[%get3A_8, %get3A_9] : memref<256x128xf32, #tpu.memory_space<vmem>>, vector<256x128xf32>
    %get3A_11 = arith.constant 0 : index
    %get3A_12 = arith.constant 0 : index
    %get3A_13 = vector.load %arg2[%get3A_11, %get3A_12] : memref<128x128xf32, #tpu.memory_space<vmem>>, vector<128x128xf32>
    %dot_general3A = arith.constant dense<0.000000e+00> : vector<256x128xf32>
    %dot_general3A_14 = tpu.matmul %get3A_10, %get3A_13, %dot_general3A {dimension_numbers = #tpu.dot_dimension_numbers<[1], [0], [0], [1], [0, 0, 1, 1], [], []>, transpose_lhs_hint = false} : vector<256x128xf32>, vector<128x128xf32>, vector<256x128xf32> -> vector<256x128xf32>
    %mul3A = vector.broadcast %rsqrt3A : vector<256x1xf32> to vector<256x128xf32>
    %mul3A_15 = arith.mulf %dot_general3A_14, %mul3A : vector<256x128xf32>
    %swap3A = arith.constant 0 : index
    %swap3A_16 = arith.constant 0 : index
    %swap3A_17 = vector.load %arg5[%swap3A, %swap3A_16] : memref<256x128xf32, #tpu.memory_space<vmem>>, vector<256x128xf32>
    tpu.vector_store %arg5[%swap3A, %swap3A_16], %mul3A_15 {strides = array<i32>} : memref<256x128xf32, #tpu.memory_space<vmem>>, vector<256x128xf32>,
    %swap3A_18 = arith.constant 0 : index
    %swap3A_19 = arith.constant 0 : index
    %swap3A_20 = vector.load %arg6[%swap3A_18, %swap3A_19] : memref<256x1xf32, #tpu.memory_space<vmem>>, vector<256x1xf32>
    tpu.vector_store %arg6[%swap3A_18, %swap3A_19], %rsqrt3A {strides = array<i32>} : memref<256x1xf32, #tpu.memory_space<vmem>>, vector<256x1xf32>,
    return
  }
  func.func @transform_0(%arg0: i32) -> (i32, i32) {
    %c0_i32 = arith.constant 0 : i32
    %c0_i32_0 = arith.constant 0 : i32
    return %arg0, %c0_i32 : i32, i32
  }
  func.func @transform_1(%arg0: i32) -> (i32, i32) {
    %c0_i32 = arith.constant 0 : i32
    %c0_i32_0 = arith.constant 0 : i32
    %c0_i32_1 = arith.constant 0 : i32
    return %c0_i32, %c0_i32_0 : i32, i32
  }
  func.func @transform_2(%arg0: i32) -> (i32, i32) {
    %c0_i32 = arith.constant 0 : i32
    %c0_i32_0 = arith.constant 0 : i32
    return %arg0, %c0_i32 : i32, i32
  }
  func.func @transform_3(%arg0: i32) -> (i32, i32) {
    %add3A = arith.constant 40 : i32
    %add3A_0 = arith.addi %arg0, %add3A : i32
    %c0_i32 = arith.constant 0 : i32
    %c0_i32_1 = arith.constant 0 : i32
    return %add3A_0, %c0_i32 : i32, i32
  }
  func.func @transform_4(%arg0: i32) -> (i32, i32) {
    %c0_i32 = arith.constant 0 : i32
    %c0_i32_0 = arith.constant 0 : i32
    return %arg0, %c0_i32 : i32, i32
  }
  func.func @transform_5(%arg0: i32) -> (i32, i32) {
    %c0_i32 = arith.constant 0 : i32
    %c0_i32_0 = arith.constant 0 : i32
    return %arg0, %c0_i32 : i32, i32
  }
}

module attributes {stable_mosaic.version = 14 : i64} {
  func.func @body(%arg0: i32, %arg1: memref<256x128xf32, #tpu.memory_space<vmem>>, %arg2: memref<256x128xf32, #tpu.memory_space<vmem>>, %arg3: memref<256x1xf32, #tpu.memory_space<vmem>>, %arg4: memref<1x128xf32, #tpu.memory_space<vmem>>, %arg5: memref<1x256xi32, #tpu.memory_space<vmem>>, %arg6: memref<128x1xf32, #tpu.memory_space<vmem>>, %arg7: memref<1x1xf32, #tpu.memory_space<vmem>>, %arg8: memref<64x1xf32, #tpu.memory_space<vmem>>, %arg9: memref<64x128xf32, #tpu.memory_space<vmem>>, %arg10: memref<64x1xf32, #tpu.memory_space<vmem>>) attributes {dimension_semantics = [#tpu.dimension_semantics<arbitrary>], iteration_bounds = array<i64: 40>, scalar_prefetch = 0 : i64, scratch_operands = 2 : i64, tpu.core_type = #tpu.core_type<tc>, window_params = [{transform_indices = @transform_0, window_bounds = array<i64: 256, 128>}, {transform_indices = @transform_1, window_bounds = array<i64: 256, 128>}, {transform_indices = @transform_2, window_bounds = array<i64: 256, 1>}, {pipeline_mode = #tpu.pipeline_mode<synchronous>, transform_indices = @transform_3, window_bounds = array<i64: 1, 128>}, {transform_indices = @transform_4, window_bounds = array<i64: 1, 256>}, {pipeline_mode = #tpu.pipeline_mode<synchronous>, transform_indices = @transform_5, window_bounds = array<i64: 128, 1>}, {pipeline_mode = #tpu.pipeline_mode<synchronous>, transform_indices = @transform_6, window_bounds = array<i64: 1, 1>}, {pipeline_mode = #tpu.pipeline_mode<synchronous>, transform_indices = @transform_7, window_bounds = array<i64: 64, 1>}]} {
    %eq3A = arith.constant 0 : i32
    %eq3A_0 = arith.cmpi eq, %arg0, %eq3A : i32
    %convert_element_type3A = arith.extui %eq3A_0 : i1 to i32
    %cond3A = arith.constant 0 : i32
    %cond3A_1 = arith.cmpi ne, %convert_element_type3A, %cond3A : i32
    scf.if %cond3A_1 {
      %broadcast_in_dim3A_45 = arith.constant 0.000000e+00 : f32
      %broadcast_in_dim3A_46 = vector.broadcast %broadcast_in_dim3A_45 : f32 to vector<64x128xf32>
      %swap3A_47 = arith.constant 0 : index
      %swap3A_48 = arith.constant 0 : index
      %swap3A_49 = vector.load %arg9[%swap3A_47, %swap3A_48] : memref<64x128xf32, #tpu.memory_space<vmem>>, vector<64x128xf32>
      tpu.vector_store %arg9[%swap3A_47, %swap3A_48], %broadcast_in_dim3A_46 {strides = array<i32>} : memref<64x128xf32, #tpu.memory_space<vmem>>, vector<64x128xf32>,
      %broadcast_in_dim3A_50 = arith.constant 0.000000e+00 : f32
      %broadcast_in_dim3A_51 = vector.broadcast %broadcast_in_dim3A_50 : f32 to vector<64x1xf32>
      %swap3A_52 = arith.constant 0 : index
      %swap3A_53 = arith.constant 0 : index
      %swap3A_54 = vector.load %arg10[%swap3A_52, %swap3A_53] : memref<64x1xf32, #tpu.memory_space<vmem>>, vector<64x1xf32>
      tpu.vector_store %arg10[%swap3A_52, %swap3A_53], %broadcast_in_dim3A_51 {strides = array<i32>} : memref<64x1xf32, #tpu.memory_space<vmem>>, vector<64x1xf32>,
    } else {
    }
    %get3A = arith.constant 0 : index
    %get3A_2 = arith.constant 0 : index
    %get3A_3 = vector.load %arg3[%get3A, %get3A_2] : memref<256x1xf32, #tpu.memory_space<vmem>>, vector<256x1xf32>
    %get3A_4 = arith.constant 0 : index
    %get3A_5 = arith.constant 0 : index
    %get3A_6 = vector.load %arg1[%get3A_4, %get3A_5] : memref<256x128xf32, #tpu.memory_space<vmem>>, vector<256x128xf32>
    %get3A_7 = arith.constant 0 : index
    %get3A_8 = arith.constant 0 : index
    %get3A_9 = vector.load %arg2[%get3A_7, %get3A_8] : memref<256x128xf32, #tpu.memory_space<vmem>>, vector<256x128xf32>
    %add3A = arith.addf %get3A_6, %get3A_9 : vector<256x128xf32>
    %mul3A = vector.broadcast %get3A_3 : vector<256x1xf32> to vector<256x128xf32>
    %mul3A_10 = arith.mulf %mul3A, %add3A : vector<256x128xf32>
    %get3A_11 = arith.constant 0 : index
    %get3A_12 = arith.constant 0 : index
    %get3A_13 = vector.load %arg4[%get3A_11, %get3A_12] : memref<1x128xf32, #tpu.memory_space<vmem>>, vector<1x128xf32>
    %add3A_14 = vector.broadcast %get3A_13 : vector<1x128xf32> to vector<256x128xf32>
    %add3A_15 = arith.addf %mul3A_10, %add3A_14 : vector<256x128xf32>
    %max3A = arith.constant 0.000000e+00 : f32
    %max3A_16 = vector.broadcast %max3A : f32 to vector<256x128xf32>
    %max3A_17 = arith.maximumf %add3A_15, %max3A_16 : vector<256x128xf32>
    %iota3A = tpu.iota {dimensions = array<i32: 0>} : vector<64x256xi32>
    %get3A_18 = arith.constant 0 : index
    %get3A_19 = arith.constant 0 : index
    %get3A_20 = vector.load %arg5[%get3A_18, %get3A_19] : memref<1x256xi32, #tpu.memory_space<vmem>>, vector<1x256xi32>
    %eq3A_21 = vector.broadcast %get3A_20 : vector<1x256xi32> to vector<64x256xi32>
    %eq3A_22 = arith.cmpi eq, %iota3A, %eq3A_21 : vector<64x256xi32>
    %convert_element_type3A_23 = arith.extui %eq3A_22 : vector<64x256xi1> to vector<64x256xi32>
    %convert_element_type3A_24 = arith.sitofp %convert_element_type3A_23 : vector<64x256xi32> to vector<64x256xf32>
    %get3A_25 = arith.constant 0 : index
    %get3A_26 = arith.constant 0 : index
    %get3A_27 = vector.load %arg9[%get3A_25, %get3A_26] : memref<64x128xf32, #tpu.memory_space<vmem>>, vector<64x128xf32>
    %dot_general3A = arith.constant dense<0.000000e+00> : vector<64x128xf32>
    %dot_general3A_28 = tpu.matmul %convert_element_type3A_24, %max3A_17, %dot_general3A {dimension_numbers = #tpu.dot_dimension_numbers<[1], [0], [0], [1], [0, 0, 1, 1], [], []>, precision = #tpu.contract_precision<fp32>, transpose_lhs_hint = false} : vector<64x256xf32>, vector<256x128xf32>, vector<64x128xf32> -> vector<64x128xf32>
    %add3A_29 = arith.addf %get3A_27, %dot_general3A_28 : vector<64x128xf32>
    %swap3A = arith.constant 0 : index
    %swap3A_30 = arith.constant 0 : index
    %swap3A_31 = vector.load %arg9[%swap3A, %swap3A_30] : memref<64x128xf32, #tpu.memory_space<vmem>>, vector<64x128xf32>
    tpu.vector_store %arg9[%swap3A, %swap3A_30], %add3A_29 {strides = array<i32>} : memref<64x128xf32, #tpu.memory_space<vmem>>, vector<64x128xf32>,
    %get3A_32 = arith.constant 0 : index
    %get3A_33 = arith.constant 0 : index
    %get3A_34 = vector.load %arg10[%get3A_32, %get3A_33] : memref<64x1xf32, #tpu.memory_space<vmem>>, vector<64x1xf32>
    %reduce_sum3A = arith.constant dense<0.000000e+00> : vector<64xf32>
    %reduce_sum3A_35 = vector.multi_reduction <add>, %convert_element_type3A_24, %reduce_sum3A [1] : vector<64x256xf32> to vector<64xf32>
    %broadcast_in_dim3A = vector.shape_cast %reduce_sum3A_35 : vector<64xf32> to vector<64x1xf32>
    %add3A_36 = arith.addf %get3A_34, %broadcast_in_dim3A : vector<64x1xf32>
    %swap3A_37 = arith.constant 0 : index
    %swap3A_38 = arith.constant 0 : index
    %swap3A_39 = vector.load %arg10[%swap3A_37, %swap3A_38] : memref<64x1xf32, #tpu.memory_space<vmem>>, vector<64x1xf32>
    tpu.vector_store %arg10[%swap3A_37, %swap3A_38], %add3A_36 {strides = array<i32>} : memref<64x1xf32, #tpu.memory_space<vmem>>, vector<64x1xf32>,
    %eq3A_40 = arith.constant 39 : i32
    %eq3A_41 = arith.cmpi eq, %arg0, %eq3A_40 : i32
    %convert_element_type3A_42 = arith.extui %eq3A_41 : i1 to i32
    %cond3A_43 = arith.constant 0 : i32
    %cond3A_44 = arith.cmpi ne, %convert_element_type3A_42, %cond3A_43 : i32
    scf.if %cond3A_44 {
      %get3A_45 = arith.constant 0 : index
      %get3A_46 = arith.constant 0 : index
      %get3A_47 = vector.load %arg9[%get3A_45, %get3A_46] : memref<64x128xf32, #tpu.memory_space<vmem>>, vector<64x128xf32>
      %get3A_48 = arith.constant 0 : index
      %get3A_49 = arith.constant 0 : index
      %get3A_50 = vector.load %arg10[%get3A_48, %get3A_49] : memref<64x1xf32, #tpu.memory_space<vmem>>, vector<64x1xf32>
      %max3A_51 = arith.constant 1.000000e+00 : f32
      %max3A_52 = vector.broadcast %max3A_51 : f32 to vector<64x1xf32>
      %max3A_53 = arith.maximumf %get3A_50, %max3A_52 : vector<64x1xf32>
      %div3A = vector.broadcast %max3A_53 : vector<64x1xf32> to vector<64x128xf32>
      %div3A_54 = arith.divf %get3A_47, %div3A : vector<64x128xf32>
      %get3A_55 = arith.constant 0 : index
      %get3A_56 = arith.constant 0 : index
      %get3A_57 = vector.load %arg6[%get3A_55, %get3A_56] : memref<128x1xf32, #tpu.memory_space<vmem>>, vector<128x1xf32>
      %dot_general3A_58 = arith.constant dense<0.000000e+00> : vector<64x1xf32>
      %dot_general3A_59 = tpu.matmul %div3A_54, %get3A_57, %dot_general3A_58 {dimension_numbers = #tpu.dot_dimension_numbers<[1], [0], [0], [1], [0, 0, 1, 1], [], []>, transpose_lhs_hint = false} : vector<64x128xf32>, vector<128x1xf32>, vector<64x1xf32> -> vector<64x1xf32>
      %get3A_60 = arith.constant 0 : index
      %get3A_61 = arith.constant 0 : index
      %get3A_62 = vector.load %arg7[%get3A_60, %get3A_61] : memref<1x1xf32, #tpu.memory_space<vmem>>, vector<1x1xf32>
      %add3A_63 = vector.broadcast %get3A_62 : vector<1x1xf32> to vector<64x1xf32>
      %add3A_64 = arith.addf %dot_general3A_59, %add3A_63 : vector<64x1xf32>
      %swap3A_65 = arith.constant 0 : index
      %swap3A_66 = arith.constant 0 : index
      %swap3A_67 = vector.load %arg8[%swap3A_65, %swap3A_66] : memref<64x1xf32, #tpu.memory_space<vmem>>, vector<64x1xf32>
      tpu.vector_store %arg8[%swap3A_65, %swap3A_66], %add3A_64 {strides = array<i32>} : memref<64x1xf32, #tpu.memory_space<vmem>>, vector<64x1xf32>,
    } else {
    }
    return
  }
  func.func @transform_0(%arg0: i32) -> (i32, i32) {
    %c0_i32 = arith.constant 0 : i32
    %c0_i32_0 = arith.constant 0 : i32
    return %arg0, %c0_i32 : i32, i32
  }
  func.func @transform_1(%arg0: i32) -> (i32, i32) {
    %add3A = arith.constant 40 : i32
    %add3A_0 = arith.addi %arg0, %add3A : i32
    %c0_i32 = arith.constant 0 : i32
    %c0_i32_1 = arith.constant 0 : i32
    return %add3A_0, %c0_i32 : i32, i32
  }
  func.func @transform_2(%arg0: i32) -> (i32, i32) {
    %c0_i32 = arith.constant 0 : i32
    %c0_i32_0 = arith.constant 0 : i32
    return %arg0, %c0_i32 : i32, i32
  }
  func.func @transform_3(%arg0: i32) -> (i32, i32) {
    %c0_i32 = arith.constant 0 : i32
    %c0_i32_0 = arith.constant 0 : i32
    %c0_i32_1 = arith.constant 0 : i32
    return %c0_i32, %c0_i32_0 : i32, i32
  }
  func.func @transform_4(%arg0: i32) -> (i32, i32) {
    %c0_i32 = arith.constant 0 : i32
    %c0_i32_0 = arith.constant 0 : i32
    return %c0_i32, %arg0 : i32, i32
  }
  func.func @transform_5(%arg0: i32) -> (i32, i32) {
    %c0_i32 = arith.constant 0 : i32
    %c0_i32_0 = arith.constant 0 : i32
    %c0_i32_1 = arith.constant 0 : i32
    return %c0_i32, %c0_i32_0 : i32, i32
  }
  func.func @transform_6(%arg0: i32) -> (i32, i32) {
    %c0_i32 = arith.constant 0 : i32
    %c0_i32_0 = arith.constant 0 : i32
    %c0_i32_1 = arith.constant 0 : i32
    return %c0_i32, %c0_i32_0 : i32, i32
  }
  func.func @transform_7(%arg0: i32) -> (i32, i32) {
    %c0_i32 = arith.constant 0 : i32
    %c0_i32_0 = arith.constant 0 : i32
    %c0_i32_1 = arith.constant 0 : i32
    return %c0_i32, %c0_i32_0 : i32, i32
  }
}

</mosaic_0001>

<sc_bundles>
// kernel: kernel.11.cloned.1.call-start
scs
__scs_entry_jumppad:
0x0: {  	(pc) =	sbr.rel $0x88, $3  }
0x1: {  	(tag) =	ssettag $0x0;
	lr =	simm.s32 $0x1  }
0x2: {  	[smem:$0x3F98] =	sst lr;
	_ =	strace $0xD0000000  }
0x3: {  	_ = 	snop  }
0x4: {  	_ = 	snop  }
0x5: {  	_ = 	snop  }
0x6: {  	_ = 	snop  }
0x7: {  	_ = 	snop  }
__scs_overlays_trampoline_lowered:
0x8: {  	[smem:$0x3FA7] =	sst s0  }
0x9: {  	[smem:$0x3FA8] =	sst s1  }
0xa: {  	[smem:$0x3FA9] =	sst s2  }
0xb: {  	[smem:$0x3FAA] =	sst s3  }
0xc: {  	[smem:$0x3FAB] =	sst s4  }
0xd: {  	[smem:$0x3FAC] =	sst s5  }
0xe: {  	[smem:$0x3FAD] =	sst s6  }
0xf: {  	[smem:$0x3FAE] =	sst s7  }
0x10: {  	[smem:$0x3FAF] =	sst s8  }
0x11: {  	[smem:$0x3FB0] =	sst s9;
	s0 =	simm.s32 @!p0 $0x0  }
0x12: {  	s1 =	sld [smem:$0x3F96];
	s0 =	simm.s32 @p0 $0x1  }
0x13: {  	[smem:$0x3FB1] =	sst s0;
	s0 =	simm.s32 @!p1 $0x0  }
0x14: {  	s2 =	sld [smem:$0x3F95];
	s0 =	simm.s32 @p1 $0x1  }
0x15: {  	[smem:$0x3FB2] =	sst s0;
	s0 =	simm.s32 @!p2 $0x0  }
0x16: {  	s3 =	sld [smem:$0x3FDB];
	s0 =	simm.s32 @p2 $0x1  }
0x17: {  	s4 =	simm.s32 $0x1BF5;
	[smem:$0x3FB4] =	sst s0  }
0x18: {  	s0 =	sld [smem:$0x3F97];
	_ =	swait.ge [sflag:s4], $0x0  }
0x19: {  	s7 =	sld [smem:$0x3F98]  }
0x1a: {  	s8 =	sadd.s32 $0xFFFFE003, lr  }
0x1b: {  	s9 =	sadd.s32 $0xFFFFFEF7, lr;
	s5 =	simm.s32 $0xFFFFFFFF;
	p2 =	slt.u32 s8, $0xFFFFF086  }
0x1c: {  	p1 =	slt.u32 s9, $0xF7A;
	s5 =	simm.s32 @!p2 $0x0  }
0x1d: {  	s5 =	simm.s32 @p1 $0x1;
	p0 =	seq.s32 s7, s2  }
0x1e: {  	s7 =	smul.u32 @!p0 $0xF7A, s2;
	p2 =	seq.s32 @!p0 s5, $0x0  }
0x1f: {  	s9 =	smul.u32 $0xF7A, s1;
	s8 =	simm.s32 @!p0 $0x1BF5;
	p2 =	por !p2, p0  }
0x20: {  	[sflag:s8] =	ssyncset.s32 @!p0 $0xFFFFF086;
	s6 =	sadd.s32 @!p0 s3, s7;
	s7 =	simm.s32 @!p0 $0x108  }
0x21: {  	s3 =	sadd.s32 s3, s9;
	s6 =	sadd.s32 @!p0 $0x88, s6;
	s7 =	simm.s32 @p2 $0x1082  }
0x22: {  	[simem:s7], [sflag:s8] =	dma.local @!p0 [hbm:s6], $0xF7A  }
0x23: {  	s9 =	sor.u32 $0xD0000000, s2;
	s6 =	simm.s32 $0x108;
	_ =	swait.ge @!p0 [sflag:s8], $0x0  }
0x24: {  	s3 =	sadd.s32 $0x88, s3;
	s6 =	simm.s32 @!p1 $0x1082;
	[sflag:s4] =	ssyncset.s32 $0xFFFFF086  }
0x25: {  	[simem:s6], [sflag:s4] =	dma.local [hbm:s3], $0xF7A  }
0x26: {  	[smem:$0x3F98] =	sst s1;
	(tag) =	ssettag s2;
	_ =	strace s9  }
0x27: {  	s1 =	sld [smem:$0x3FA8]  }
0x28: {  	s2 =	sld [smem:$0x3FA9]  }
0x29: {  	s4 =	sld [smem:$0x3FAB]  }
0x2a: {  	p0 =	seq.s32 s5, $0x0;
	s5 =	sld [smem:$0x3FAC]  }
0x2b: {  	s6 =	sld [smem:$0x3FAD]  }
0x2c: {  	s7 =	sld [smem:$0x3FAE]  }
0x2d: {  	s3 =	simm.s32 $0x108;
	s8 =	sld [smem:$0x3FAF]  }
0x2e: {  	s3 =	simm.s32 @!p0 $0x1082;
	s9 =	sld [smem:$0x3FB0]  }
0x2f: {  	lr =	sadd.s32 s0, s3;
	s0 =	sld [smem:$0x3FA7]  }
0x30: {  	s3 =	sld [smem:$0x3FAA]  }
0x31: {  	[smem:$0x3FB3] =	sst s10  }
0x32: {  	s10 =	sld [smem:$0x3FB1];
	_ =	sdelay $0x3  }
0x33: {  	p0 =	seq.s32 s10, $0x1;
	s10 =	sld [smem:$0x3FB3];
	_ =	sdelay $0x3  }
0x34: {  	[smem:$0x3FB3] =	sst s10  }
0x35: {  	s10 =	sld [smem:$0x3FB2];
	_ =	sdelay $0x3  }
0x36: {  	p1 =	seq.s32 s10, $0x1;
	s10 =	sld [smem:$0x3FB3];
	_ =	sdelay $0x3  }
0x37: {  	[smem:$0x3FB3] =	sst s10  }
0x38: {  	s10 =	sld [smem:$0x3FB4]  }
0x39: {  	_ = 	snop;
	(pc) =	sbr.ind lr, $3  }
0x3a: {  	_ = 	snop  }
0x3b: {  	_ = 	snop  }
0x3c: {  	p2 =	seq.s32 s10, $0x1;
	s10 =	sld [smem:$0x3FB3]  }
0x3d: {  	_ =	shalt  }
0x3e: {  	_ =	shalt  }
0x3f: {  	_ =	shalt  }
0x40: {  	_ =	shalt  }
0x41: {  	_ =	shalt  }
0x42: {  	_ =	shalt  }
0x43: {  	_ =	shalt  }
0x44: {  	_ =	shalt  }
0x45: {  	_ =	shalt  }
0x46: {  	_ =	shalt  }
0x47: {  	_ =	shalt  }
0x48: {  	_ =	shalt  }
0x49: {  	_ =	shalt  }
0x4a: {  	_ =	shalt  }
0x4b: {  	_ =	shalt  }
0x4c: {  	_ =	shalt  }
0x4d: {  	_ =	shalt  }
0x4e: {  	_ =	shalt  }
0x4f: {  	_ =	shalt  }
0x50: {  	_ =	shalt  }
0x51: {  	_ =	shalt  }
0x52: {  	_ =	shalt  }
0x53: {  	_ =	shalt  }
0x54: {  	_ =	shalt  }
0x55: {  	_ =	shalt  }
0x56: {  	_ =	shalt  }
0x57: {  	_ =	shalt  }
0x58: {  	_ =	shalt  }
0x59: {  	_ =	shalt  }
0x5a: {  	_ =	shalt  }
0x5b: {  	_ =	shalt  }
0x5c: {  	_ =	shalt  }
0x5d: {  	_ =	shalt  }
0x5e: {  	_ =	shalt  }
0x5f: {  	_ =	shalt  }
0x60: {  	_ =	shalt  }
0x61: {  	_ =	shalt  }
0x62: {  	_ =	shalt  }
0x63: {  	_ =	shalt  }
0x64: {  	_ =	shalt  }
0x65: {  	_ =	shalt  }
0x66: {  	_ =	shalt  }
0x67: {  	_ =	shalt  }
0x68: {  	_ =	shalt  }
0x69: {  	_ =	shalt  }
0x6a: {  	_ =	shalt  }
0x6b: {  	_ =	shalt  }
0x6c: {  	_ =	shalt  }
0x6d: {  	_ =	shalt  }
0x6e: {  	_ =	shalt  }
0x6f: {  	_ =	shalt  }
0x70: {  	_ =	shalt  }
0x71: {  	_ =	shalt  }
0x72: {  	_ =	shalt  }
0x73: {  	_ =	shalt  }
0x74: {  	_ =	shalt  }
0x75: {  	_ =	shalt  }
0x76: {  	_ =	shalt  }
0x77: {  	_ =	shalt  }
0x78: {  	_ =	shalt  }
0x79: {  	_ =	shalt  }
0x7a: {  	_ =	shalt  }
0x7b: {  	_ =	shalt  }
0x7c: {  	_ =	shalt  }
0x7d: {  	_ =	shalt  }
0x7e: {  	_ =	shalt  }
0x7f: {  	_ =	shalt  }
0x80: {  	_ =	shalt  }
0x81: {  	_ =	shalt  }
0x82: {  	_ =	shalt  }
0x83: {  	_ =	shalt  }
0x84: {  	_ =	shalt  }
0x85: {  	_ =	shalt  }
0x86: {  	_ =	shalt  }
0x87: {  	_ =	shalt  }
.Lfunc_end0:
.L_simem_size_0:
called_computation.1_lowered:
.L_overlay_start_0:
0x88: {  	s2 =	sld [smem:$0x3FD9]  }
0x89: {  	s3 =	sld [smem:$0x3FFE];
	_ =	sdelay $0x1  }
0x8a: {  	s1 =	srdreg.scid  }
0x8b: {  	s0 =	sand.u32 $0x1, s1  }
0x8c: {  	s16 =	sshll.u32 s0, $0xA;
	s2 =	sadd.s32 s3, s2  }
0x8d: {  	s2 =	sadd.s32 s2, s16  }
0x8e: {  	[smem:$0x3FBF] =	sst s2  }
0x8f: {  	_ = 	snop  }
0x90: {  	(tm) =	ssettm $0x1  }
0x91: {  	s17 =	sld [smem:$0x3FFB];
	_ =	sdelay $0x3  }
0x92: {  	_ =	strace s17  }
0x93: {  	s2 =	sld [smem:$0x3FFC];
	_ =	sdelay $0x3  }
0x94: {  	_ =	strace s2  }
0x95: {  	s2 =	sld [smem:$0x3FFD];
	_ =	sdelay $0x3  }
0x96: {  	_ =	strace s2  }
0x97: {  	_ =	strace $0x8FFFFFFF  }
0x98: {  	s18 =	sld [smem:$0x3FDB];
	_ =	sdelay $0x1  }
0x99: {  	s19 =	simm.s32 $_scs_section_size  }
0x9a: {  	s4 =	simm.s32 $_size__tile_overlayer_lowered;
	s5 =	simm.s32 $_tile_overlayer_lowered  }
0x9b: {  	s22 =	simm.s32 $0x1BFF;
	s21 =	sshll.u32 s5, $0x1;
	s2 =	sadd.s32 s19, s18  }
0x9c: {  	s6 =	simm.s32 $0x0;
	s20 =	sshll.u32 s4, $0x1;
	s4 =	sadd.s32 s21, s2  }
0x9d: {  	[timem:s6], [sflag:s22] =	dma.local [hbm:s4], s20  }
0x9e: {  	_ =	swait.ge [sflag:s22], s20  }
0x9f: {  	s3 =	ssub.s32 $0x0, s20;
	[sflag:s22] =	ssyncset.done $0x0  }
0xa0: {  	[sflag:s22] =	ssyncadd.s32 s3;
	_ =	sdelay $0x1  }
0xa1: {  	s23 =	simm.s32 $0x1B8B  }
0xa2: {  	_ =	swait.ge [sflag:s23], $0x1  }
0xa3: {  	[sflag:s23] =	ssyncset.done $0x0  }
0xa4: {  	s25 =	simm.s32 $0x1B8E;
	s24 =	sld [smem:$0x3FFE];
	[sflag:s23] =	ssyncadd.s32 $0xFFFFFFFF  }
0xa5: {  	s26 =	simm.s32 $execute0_lowered;
	[smem:$0x3FD2] =	sst s25  }
0xa6: {  	s4 =	sshll.u32 s26, $0x1;
	_ =	strace $0x80000049;
	[dreg:$0x1] =	wrdreg $0xFFFFFFFF  }
0xa7: {  	s28 =	simm.s32 $_size_execute0_lowered;
	s2 =	sadd.s32 s2, s4;
	[dreg:$0x0] =	wrdreg $0x0  }
0xa8: {  	s4 =	sshll.u32 s28, $0x1;
	[dreg:$0x2] =	wrdreg s2  }
0xa9: {  	[dreg:$0x3] =	wrdreg s4  }
0xaa: {  	[dreg:$0x4] =	wrdreg $0xC0  }
0xab: {  	_ =	task [dreg:s6], $0x5FFFF  }
0xac: {  	[dreg:$0x1] =	wrdreg $0xFFFFFFFF  }
0xad: {  	[dreg:$0x0] =	wrdreg $0x60  }
0xae: {  	[dreg:$0x2] =	wrdreg s24  }
0xaf: {  	[dreg:$0x3] =	wrdreg $0x41000  }
0xb0: {  	[dreg:$0x4] =	wrdreg $0x9  }
0xb1: {  	_ =	task.clear_ibuf [dreg:s6], $0x5FFFF;
	_ =	strace $0x90000049  }
0xb2: {  	s29 =	simm.s32 $0x9;
	_ =	strace $0x8000004B  }
0xb3: {  	_ =	swait.ge [sflag:s29], $0x1  }
0xb4: {  	[sflag:s29] =	ssyncadd.s32 $0xFFFFFFFF  }
0xb5: {  	_ =	strace $0x9000004B  }
0xb6: {  	_ =	sfence  }
0xb7: {  	s30 =	sld [smem:$0x0];
	_ =	sdelay $0x2  }
0xb8: {  	s31 =	sshll.u32 s1, $0xD;
	s1 =	sshrl.u32 s1, $0x2  }
0xb9: {  	s3 =	sand.u32 $0x4000, s31;
	s1 =	sadd.s32 s1, s30  }
0xba: {  	s0 =	sor.u32 s3, s0;
	s1 =	sshll.u32 s1, $0x11  }
0xbb: {  	s0 =	sor.u32 s1, s0  }
0xbc: {  	s0 =	sadd.s32 $0x8F2B, s0  }
0xbd: {  	[sflag:s0] =	ssyncadd.remote.s32 $0x1  }
0xbe: {  	_ =	sfence.sel $0xFFFF  }
0xbf: {  	[dreg:$0x0] =	wrdreg $0xFFFFFFFF;
	(pc) =	sbr.abs _section_cstart, $3  }
0xc0: {  	[dreg:$0x1] =	wrdreg $0xFFFFFFFF  }
0xc1: {  	_ =	task.clear_ibuf [dreg:s6], $0x2FFFF;
	_ =	strace $0x9FFFFFFF  }
0xc2: {  	(tm) =	ssettm $0x7FFFFFFF  }
0xc3: {  	_ =	shalt  }
tec
execute0_lowered:
.L_overlay_start_1:
0x0: {  	(tag) =	ssettag $0x1  }
0x1: {  	s5 =	rddreg [dreg:$0x0];
	s0 =	srdreg.scid  }
0x2: {  	s2 =	rddreg [dreg:$0x1];
	s1 =	stileid.u32;
	s3 =	simm.s32 $0x0  }
0x3: {  	s13 =	simm.s32 $0x80;
	s14 =	simm.s32 $0x100;
	s8 =	smul.u32 $0x2800, s1  }
0x4: {  	s15 =	simm.s32 $0x1;
	s16 =	simm.s32 $0x0;
	s26 =	smul.u32 $0x50000, s1  }
0x5: {  	s6 =	sand.u32 $0x1, s0;
	s0 =	rddreg [dreg:$0x2];
	s30 =	smul.u32 $0x510, s1  }
0x6: {  	[smem:$0x7FF] =	sst s3;
	s4 =	sadd.s32 $0x34400, s5;
	s7 =	smul.u32 $0x5100, s6  }
0x7: {  	s31 =	sshll.u32 s1, $0x6;
	s9 =	smul.u32 $0x28000, s6;
	s6 =	ssub.s32 $0x2, s6  }
0x8: {  	_ =	strace $0x8000004A;
	s28 =	sshrl.u32 s6, $0x1;
	s29 =	sshrl.u32 s26, $0x2  }
0x9: {  	s10 =	sadd.s32 s7, s5;
	s25 =	sadd.s32 s8, s9;
	s8 =	sadd.s32 s8, s5  }
0xa: {  	s11 =	ssub.s32 s6, s28;
	s12 =	sadd.s32 s29, s2;
	s6 =	sor.u32 $0x1C02, s31  }
0xb: {  	s7 =	sadd.s32 s25, s5;
	s5 =	sadd.s32 $0xC400, s8;
	s10 =	sadd.s32 s30, s10  }
0xc: {  	s8 =	smax.u32 s11, $0x1;
	s11 =	sshrl.u32 s12, $0x3;
	s12 =	simm.s32 $0x2  }
0xd: {  	s7 =	sadd.s32 $0x8EE00, s7;
	s9 =	sadd.s32 $0x2200, s10;
	s10 =	sadd.s32 $0x84C00, s10  }
.LBB2_1:
0xe: {  	[spmem:s11], [sflag:s6] =	dma.local [hbm:s5], $0x2800  }
0xf: {  	_ =	swait.ge [sflag:s12], $0x2800  }
0x10: {  	[sflag:s12] =	ssyncset.done $0x0  }
0x11: {  	[sflag:s12] =	ssyncadd.s32 $0xFFFFD800  }
0x12: {  	s17 =	sadd.s32 $0x0, s10;
	[bflag:$0x0] =	sbarrier.arrive $0xFFFF  }
0x13: {  	[tilespmem:s3], [sflag:$0x2] =	stream.linear.gather [hbm4b:s17+s3], $0x80, $0x38;
	[tilespmem:$0x18100] =	vst v63  }
0x14: {  	_ =	swait.ge [sflag:s12], $0x80  }
0x15: {  	[sflag:s12] =	ssyncset.done $0x0  }
0x16: {  	s31 =	sadd.s32 $0x0, s9;
	[sflag:s12] =	ssyncadd.s32 $0xFFFFFF80  }
0x17: {  	[tilespmem:s13], [sflag:$0x2] =	stream.linear.gather [hbm4b:s31+s3], $0x80, $0x38;
	[tilespmem:$0x18100] =	vst v63  }
0x18: {  	_ =	swait.ge [sflag:s12], $0x80  }
0x19: {  	[sflag:s12] =	ssyncset.done $0x0  }
0x1a: {  	[sflag:s12] =	ssyncadd.s32 $0xFFFFFF80  }
0x1b: {  	[tilespmem:s14], [sflag:$0x1] =	stream.indirect.gather [hbm4b:s4+s13], $0x80, s3, s13, $0xb8;
	[tilespmem:$0x18100] =	vst v63  }
0x1c: {  	_ =	swait.ge [sflag:s15], $0x4000  }
0x1d: {  	[sflag:s15] =	ssyncset.done $0x0  }
0x1e: {  	[sflag:s15] =	ssyncadd.s32 $0xFFFFC000  }
0x1f: {  	[spmem:s2] =	stream.indirect.scatter.add.f32 [tilespmem:s14], [sflag:$0x2], $0x80, s13, s13, $0xb8;
	[tilespmem:$0x18100] =	vst v63  }
0x20: {  	_ =	swait.ge [sflag:s12], $0x4000  }
0x21: {  	s18 =	simm.s32 $0x20;
	s17 =	simm.s32 $0x10;
	[sflag:s12] =	ssyncset.done $0x0  }
.LBB2_2:
0x22: {  	s19 =	sadd.s32 s17, s10  }
0x23: {  	[sflag:s12] =	ssyncadd.s32 $0xFFFFC000;
	s20 =	smov.u32 s18;
	s21 =	sadd.s32 $0x10, s18  }
0x24: {  	[tilespmem:s3], [sflag:$0x2] =	stream.linear.gather [hbm4b:s19+s3], $0x80, $0x38;
	[tilespmem:$0x18100] =	vst v63  }
0x25: {  	p0 =	sne.s32 s18, $0x500;
	_ =	swait.ge [sflag:s12], $0x80  }
0x26: {  	[sflag:s12] =	ssyncset.done $0x0  }
0x27: {  	s18 =	sadd.s32 s17, s9;
	s17 =	smov.u32 s20;
	[sflag:s12] =	ssyncadd.s32 $0xFFFFFF80  }
0x28: {  	[tilespmem:s13], [sflag:$0x2] =	stream.linear.gather [hbm4b:s18+s3], $0x80, $0x38;
	[tilespmem:$0x18100] =	vst v63  }
0x29: {  	_ =	swait.ge [sflag:s12], $0x80  }
0x2a: {  	[sflag:s12] =	ssyncset.done $0x0  }
0x2b: {  	[sflag:s12] =	ssyncadd.s32 $0xFFFFFF80  }
0x2c: {  	[tilespmem:s14], [sflag:$0x1] =	stream.indirect.gather [hbm4b:s4+s13], $0x80, s3, s13, $0xb8;
	[tilespmem:$0x18100] =	vst v63  }
0x2d: {  	_ =	swait.ge [sflag:s15], $0x4000  }
.Ltmp0:
0x2e: {  	[sflag:s15] =	ssyncset.done $0x0;
	(pc) =	sbr.rel @p0 .LBB2_2-.Ltmp0, $4  }
0x2f: {  	[sflag:s15] =	ssyncadd.s32 $0xFFFFC000  }
0x30: {  	[spmem:s2] =	stream.indirect.scatter.add.f32 [tilespmem:s14], [sflag:$0x2], $0x80, s13, s13, $0xb8;
	[tilespmem:$0x18100] =	vst v63  }
0x31: {  	_ =	swait.ge [sflag:s12], $0x4000  }
0x32: {  	s18 =	smov.u32 s21;
	[sflag:s12] =	ssyncset.done $0x0  }
0x33: {  	s18 =	sadd.s32 s17, s10;
	[sflag:s12] =	ssyncadd.s32 $0xFFFFC000  }
0x34: {  	[tilespmem:s3], [sflag:$0x2] =	stream.linear.gather [hbm4b:s18+s3], $0x80, $0x38;
	[tilespmem:$0x18100] =	vst v63  }
0x35: {  	_ =	swait.ge [sflag:s12], $0x80  }
0x36: {  	[sflag:s12] =	ssyncset.done $0x0  }
0x37: {  	s31 =	sadd.s32 s17, s9;
	[sflag:s12] =	ssyncadd.s32 $0xFFFFFF80  }
0x38: {  	[tilespmem:s13], [sflag:$0x2] =	stream.linear.gather [hbm4b:s31+s3], $0x80, $0x38;
	[tilespmem:$0x18100] =	vst v63  }
0x39: {  	_ =	swait.ge [sflag:s12], $0x80  }
0x3a: {  	[sflag:s12] =	ssyncset.done $0x0  }
0x3b: {  	[sflag:s12] =	ssyncadd.s32 $0xFFFFFF80  }
0x3c: {  	[tilespmem:s14], [sflag:$0x1] =	stream.indirect.gather [hbm4b:s4+s13], $0x80, s3, s13, $0xb8;
	[tilespmem:$0x18100] =	vst v63  }
0x3d: {  	_ =	swait.ge [sflag:s15], $0x4000  }
0x3e: {  	[sflag:s15] =	ssyncset.done $0x0  }
0x3f: {  	[sflag:s15] =	ssyncadd.s32 $0xFFFFC000  }
0x40: {  	[spmem:s2] =	stream.indirect.scatter.add.f32 [tilespmem:s14], [sflag:$0x2], $0x80, s13, s13, $0xb8;
	[tilespmem:$0x18100] =	vst v63  }
0x41: {  	_ =	swait.ge [sflag:s12], $0x4000  }
0x42: {  	s16 =	sadd.s32 $0x1, s16;
	[sflag:s12] =	ssyncset.done $0x0  }
0x43: {  	p0 =	sne.s32 s16, s8;
	[sflag:s12] =	ssyncadd.s32 $0xFFFFC000  }
.Ltmp1:
0x44: {  	[bflag:$0x0] =	sbarrier.arrive $0xFFFF;
	(pc) =	sbr.rel @p0 .LBB2_1-.Ltmp1, $4  }
0x45: {  	[hbm:s7], [sflag:s6] =	dma.local [spmem:s11], $0x2800  }
0x46: {  	_ =	swait.ge [sflag:s12], $0x2800  }
0x47: {  	[sflag:s12] =	ssyncset.done $0x0  }
0x48: {  	[sflag:s12] =	ssyncadd.s32 $0xFFFFD800  }
0x49: {  	_ =	sfence.sel $0x180000  }
0x4a: {  	[bflag:$0x0] =	sbarrier.arrive $0xFFFF  }
0x4b: {  	p0 =	sne.s32 s1, $0x0;
	_ =	strace $0x9000004A  }
0x4c: {  	s0 =	sadd.s32 @!p0 $0x100000, s0;
	[bflag:$0x2] =	sbarrier.arrive $0xFFFF  }
0x4d: {  	[sflag:s0] =	ssyncadd.tile.s32 @!p0 $0x1;
	_ =	shalt  }
.Lfunc_end2:
_tile_overlayer_lowered:
.L_overlay_start_2:
0x4e: {  	(tag) =	ssettag $0x2  }
0x4f: {  	s0 =	rddreg [dreg:$0x0];
	s2 =	stileid.u32  }
0x50: {  	s1 =	rddreg [dreg:$0x1];
	p0 =	sne.s32 s2, $0x0  }
0x51: {  	s3 =	rddreg [dreg:$0x2];
	[bflag:$0x3] =	sbarrier.arrive $0xFFFF;
	s2 =	simm.s32 @!p0 $0x1C02  }
0x52: {  	[timem:s3], [sflag:s2] =	dma.local @!p0 [hbm:s0], s1  }
0x53: {  	s0 =	simm.s32 @!p0 $0x2  }
0x54: {  	_ =	swait.ge @!p0 [sflag:s0], s1  }
0x55: {  	s1 =	ssub.s32 @!p0 $0x0, s1;
	[sflag:s0] =	ssyncset.done @!p0 $0x0  }
0x56: {  	[sflag:s0] =	ssyncadd.s32 @!p0 s1  }
0x57: {  	[bflag:$0x3] =	sbarrier.arrive $0xFFFF  }
0x58: {  	_ =	shalt  }

// kernel: kernel.14.cloned.1.call-start
scs
__scs_entry_jumppad:
0x0: {  	(pc) =	sbr.rel $0x88, $3  }
0x1: {  	(tag) =	ssettag $0x0;
	lr =	simm.s32 $0x1  }
0x2: {  	[smem:$0x3F98] =	sst lr;
	_ =	strace $0xD0000000  }
0x3: {  	_ = 	snop  }
0x4: {  	_ = 	snop  }
0x5: {  	_ = 	snop  }
0x6: {  	_ = 	snop  }
0x7: {  	_ = 	snop  }
__scs_overlays_trampoline_lowered:
0x8: {  	[smem:$0x3FA7] =	sst s0  }
0x9: {  	[smem:$0x3FA8] =	sst s1  }
0xa: {  	[smem:$0x3FA9] =	sst s2  }
0xb: {  	[smem:$0x3FAA] =	sst s3  }
0xc: {  	[smem:$0x3FAB] =	sst s4  }
0xd: {  	[smem:$0x3FAC] =	sst s5  }
0xe: {  	[smem:$0x3FAD] =	sst s6  }
0xf: {  	[smem:$0x3FAE] =	sst s7  }
0x10: {  	[smem:$0x3FAF] =	sst s8  }
0x11: {  	[smem:$0x3FB0] =	sst s9;
	s0 =	simm.s32 @!p0 $0x0  }
0x12: {  	s1 =	sld [smem:$0x3F96];
	s0 =	simm.s32 @p0 $0x1  }
0x13: {  	[smem:$0x3FB1] =	sst s0;
	s0 =	simm.s32 @!p1 $0x0  }
0x14: {  	s2 =	sld [smem:$0x3F95];
	s0 =	simm.s32 @p1 $0x1  }
0x15: {  	[smem:$0x3FB2] =	sst s0;
	s0 =	simm.s32 @!p2 $0x0  }
0x16: {  	s3 =	sld [smem:$0x3FDB];
	s0 =	simm.s32 @p2 $0x1  }
0x17: {  	s4 =	simm.s32 $0x1BF5;
	[smem:$0x3FB4] =	sst s0  }
0x18: {  	s0 =	sld [smem:$0x3F97];
	_ =	swait.ge [sflag:s4], $0x0  }
0x19: {  	s7 =	sld [smem:$0x3F98]  }
0x1a: {  	s8 =	sadd.s32 $0xFFFFE003, lr  }
0x1b: {  	s9 =	sadd.s32 $0xFFFFFEF7, lr;
	s5 =	simm.s32 $0xFFFFFFFF;
	p2 =	slt.u32 s8, $0xFFFFF086  }
0x1c: {  	p1 =	slt.u32 s9, $0xF7A;
	s5 =	simm.s32 @!p2 $0x0  }
0x1d: {  	s5 =	simm.s32 @p1 $0x1;
	p0 =	seq.s32 s7, s2  }
0x1e: {  	s7 =	smul.u32 @!p0 $0xF7A, s2;
	p2 =	seq.s32 @!p0 s5, $0x0  }
0x1f: {  	s9 =	smul.u32 $0xF7A, s1;
	s8 =	simm.s32 @!p0 $0x1BF5;
	p2 =	por !p2, p0  }
0x20: {  	[sflag:s8] =	ssyncset.s32 @!p0 $0xFFFFF086;
	s6 =	sadd.s32 @!p0 s3, s7;
	s7 =	simm.s32 @!p0 $0x108  }
0x21: {  	s3 =	sadd.s32 s3, s9;
	s6 =	sadd.s32 @!p0 $0x88, s6;
	s7 =	simm.s32 @p2 $0x1082  }
0x22: {  	[simem:s7], [sflag:s8] =	dma.local @!p0 [hbm:s6], $0xF7A  }
0x23: {  	s9 =	sor.u32 $0xD0000000, s2;
	s6 =	simm.s32 $0x108;
	_ =	swait.ge @!p0 [sflag:s8], $0x0  }
0x24: {  	s3 =	sadd.s32 $0x88, s3;
	s6 =	simm.s32 @!p1 $0x1082;
	[sflag:s4] =	ssyncset.s32 $0xFFFFF086  }
0x25: {  	[simem:s6], [sflag:s4] =	dma.local [hbm:s3], $0xF7A  }
0x26: {  	[smem:$0x3F98] =	sst s1;
	(tag) =	ssettag s2;
	_ =	strace s9  }
0x27: {  	s1 =	sld [smem:$0x3FA8]  }
0x28: {  	s2 =	sld [smem:$0x3FA9]  }
0x29: {  	s4 =	sld [smem:$0x3FAB]  }
0x2a: {  	p0 =	seq.s32 s5, $0x0;
	s5 =	sld [smem:$0x3FAC]  }
0x2b: {  	s6 =	sld [smem:$0x3FAD]  }
0x2c: {  	s7 =	sld [smem:$0x3FAE]  }
0x2d: {  	s3 =	simm.s32 $0x108;
	s8 =	sld [smem:$0x3FAF]  }
0x2e: {  	s3 =	simm.s32 @!p0 $0x1082;
	s9 =	sld [smem:$0x3FB0]  }
0x2f: {  	lr =	sadd.s32 s0, s3;
	s0 =	sld [smem:$0x3FA7]  }
0x30: {  	s3 =	sld [smem:$0x3FAA]  }
0x31: {  	[smem:$0x3FB3] =	sst s10  }
0x32: {  	s10 =	sld [smem:$0x3FB1];
	_ =	sdelay $0x3  }
0x33: {  	p0 =	seq.s32 s10, $0x1;
	s10 =	sld [smem:$0x3FB3];
	_ =	sdelay $0x3  }
0x34: {  	[smem:$0x3FB3] =	sst s10  }
0x35: {  	s10 =	sld [smem:$0x3FB2];
	_ =	sdelay $0x3  }
0x36: {  	p1 =	seq.s32 s10, $0x1;
	s10 =	sld [smem:$0x3FB3];
	_ =	sdelay $0x3  }
0x37: {  	[smem:$0x3FB3] =	sst s10  }
0x38: {  	s10 =	sld [smem:$0x3FB4]  }
0x39: {  	_ = 	snop;
	(pc) =	sbr.ind lr, $3  }
0x3a: {  	_ = 	snop  }
0x3b: {  	_ = 	snop  }
0x3c: {  	p2 =	seq.s32 s10, $0x1;
	s10 =	sld [smem:$0x3FB3]  }
0x3d: {  	_ =	shalt  }
0x3e: {  	_ =	shalt  }
0x3f: {  	_ =	shalt  }
0x40: {  	_ =	shalt  }
0x41: {  	_ =	shalt  }
0x42: {  	_ =	shalt  }
0x43: {  	_ =	shalt  }
0x44: {  	_ =	shalt  }
0x45: {  	_ =	shalt  }
0x46: {  	_ =	shalt  }
0x47: {  	_ =	shalt  }
0x48: {  	_ =	shalt  }
0x49: {  	_ =	shalt  }
0x4a: {  	_ =	shalt  }
0x4b: {  	_ =	shalt  }
0x4c: {  	_ =	shalt  }
0x4d: {  	_ =	shalt  }
0x4e: {  	_ =	shalt  }
0x4f: {  	_ =	shalt  }
0x50: {  	_ =	shalt  }
0x51: {  	_ =	shalt  }
0x52: {  	_ =	shalt  }
0x53: {  	_ =	shalt  }
0x54: {  	_ =	shalt  }
0x55: {  	_ =	shalt  }
0x56: {  	_ =	shalt  }
0x57: {  	_ =	shalt  }
0x58: {  	_ =	shalt  }
0x59: {  	_ =	shalt  }
0x5a: {  	_ =	shalt  }
0x5b: {  	_ =	shalt  }
0x5c: {  	_ =	shalt  }
0x5d: {  	_ =	shalt  }
0x5e: {  	_ =	shalt  }
0x5f: {  	_ =	shalt  }
0x60: {  	_ =	shalt  }
0x61: {  	_ =	shalt  }
0x62: {  	_ =	shalt  }
0x63: {  	_ =	shalt  }
0x64: {  	_ =	shalt  }
0x65: {  	_ =	shalt  }
0x66: {  	_ =	shalt  }
0x67: {  	_ =	shalt  }
0x68: {  	_ =	shalt  }
0x69: {  	_ =	shalt  }
0x6a: {  	_ =	shalt  }
0x6b: {  	_ =	shalt  }
0x6c: {  	_ =	shalt  }
0x6d: {  	_ =	shalt  }
0x6e: {  	_ =	shalt  }
0x6f: {  	_ =	shalt  }
0x70: {  	_ =	shalt  }
0x71: {  	_ =	shalt  }
0x72: {  	_ =	shalt  }
0x73: {  	_ =	shalt  }
0x74: {  	_ =	shalt  }
0x75: {  	_ =	shalt  }
0x76: {  	_ =	shalt  }
0x77: {  	_ =	shalt  }
0x78: {  	_ =	shalt  }
0x79: {  	_ =	shalt  }
0x7a: {  	_ =	shalt  }
0x7b: {  	_ =	shalt  }
0x7c: {  	_ =	shalt  }
0x7d: {  	_ =	shalt  }
0x7e: {  	_ =	shalt  }
0x7f: {  	_ =	shalt  }
0x80: {  	_ =	shalt  }
0x81: {  	_ =	shalt  }
0x82: {  	_ =	shalt  }
0x83: {  	_ =	shalt  }
0x84: {  	_ =	shalt  }
0x85: {  	_ =	shalt  }
0x86: {  	_ =	shalt  }
0x87: {  	_ =	shalt  }
.Lfunc_end0:
.L_simem_size_0:
called_computation.2_lowered:
.L_overlay_start_0:
0x88: {  	s2 =	sld [smem:$0x3FD9]  }
0x89: {  	s3 =	sld [smem:$0x3FFE];
	_ =	sdelay $0x1  }
0x8a: {  	s1 =	srdreg.scid  }
0x8b: {  	s0 =	sand.u32 $0x1, s1  }
0x8c: {  	s16 =	sshll.u32 s0, $0xA;
	s2 =	sadd.s32 s3, s2  }
0x8d: {  	s2 =	sadd.s32 s2, s16  }
0x8e: {  	[smem:$0x3FBF] =	sst s2  }
0x8f: {  	_ = 	snop  }
0x90: {  	(tm) =	ssettm $0x1  }
0x91: {  	s17 =	sld [smem:$0x3FFB];
	_ =	sdelay $0x3  }
0x92: {  	_ =	strace s17  }
0x93: {  	s2 =	sld [smem:$0x3FFC];
	_ =	sdelay $0x3  }
0x94: {  	_ =	strace s2  }
0x95: {  	s2 =	sld [smem:$0x3FFD];
	_ =	sdelay $0x3  }
0x96: {  	_ =	strace s2  }
0x97: {  	_ =	strace $0x8FFFFFFF  }
0x98: {  	s18 =	sld [smem:$0x3FDB];
	_ =	sdelay $0x1  }
0x99: {  	s19 =	simm.s32 $_scs_section_size  }
0x9a: {  	s4 =	simm.s32 $_size__tile_overlayer_lowered;
	s5 =	simm.s32 $_tile_overlayer_lowered  }
0x9b: {  	s22 =	simm.s32 $0x1BFF;
	s21 =	sshll.u32 s5, $0x1;
	s2 =	sadd.s32 s19, s18  }
0x9c: {  	s6 =	simm.s32 $0x0;
	s20 =	sshll.u32 s4, $0x1;
	s4 =	sadd.s32 s21, s2  }
0x9d: {  	[timem:s6], [sflag:s22] =	dma.local [hbm:s4], s20  }
0x9e: {  	_ =	swait.ge [sflag:s22], s20  }
0x9f: {  	s3 =	ssub.s32 $0x0, s20;
	[sflag:s22] =	ssyncset.done $0x0  }
0xa0: {  	[sflag:s22] =	ssyncadd.s32 s3;
	_ =	sdelay $0x1  }
0xa1: {  	s23 =	simm.s32 $0x1B8B  }
0xa2: {  	_ =	swait.ge [sflag:s23], $0x1  }
0xa3: {  	[sflag:s23] =	ssyncset.done $0x0  }
0xa4: {  	s25 =	simm.s32 $0x1B8E;
	s24 =	sld [smem:$0x3FFE];
	[sflag:s23] =	ssyncadd.s32 $0xFFFFFFFF  }
0xa5: {  	s26 =	simm.s32 $execute0_lowered;
	[smem:$0x3FD2] =	sst s25  }
0xa6: {  	s4 =	sshll.u32 s26, $0x1;
	_ =	strace $0x8000004C;
	[dreg:$0x1] =	wrdreg $0xFFFFFFFF  }
0xa7: {  	s28 =	simm.s32 $_size_execute0_lowered;
	s2 =	sadd.s32 s2, s4;
	[dreg:$0x0] =	wrdreg $0x0  }
0xa8: {  	s4 =	sshll.u32 s28, $0x1;
	[dreg:$0x2] =	wrdreg s2  }
0xa9: {  	[dreg:$0x3] =	wrdreg s4  }
0xaa: {  	[dreg:$0x4] =	wrdreg $0xC0  }
0xab: {  	_ =	task [dreg:s6], $0x5FFFF  }
0xac: {  	[dreg:$0x1] =	wrdreg $0xFFFFFFFF  }
0xad: {  	[dreg:$0x0] =	wrdreg $0x60  }
0xae: {  	[dreg:$0x2] =	wrdreg s24  }
0xaf: {  	[dreg:$0x3] =	wrdreg $0x41000  }
0xb0: {  	[dreg:$0x4] =	wrdreg $0x9  }
0xb1: {  	_ =	task.clear_ibuf [dreg:s6], $0x5FFFF;
	_ =	strace $0x9000004C  }
0xb2: {  	s29 =	simm.s32 $0x9;
	_ =	strace $0x8000004E  }
0xb3: {  	_ =	swait.ge [sflag:s29], $0x1  }
0xb4: {  	[sflag:s29] =	ssyncadd.s32 $0xFFFFFFFF  }
0xb5: {  	_ =	strace $0x9000004E  }
0xb6: {  	_ =	sfence  }
0xb7: {  	s30 =	sld [smem:$0x0];
	_ =	sdelay $0x2  }
0xb8: {  	s31 =	sshll.u32 s1, $0xD;
	s1 =	sshrl.u32 s1, $0x2  }
0xb9: {  	s3 =	sand.u32 $0x4000, s31;
	s1 =	sadd.s32 s1, s30  }
0xba: {  	s0 =	sor.u32 s3, s0;
	s1 =	sshll.u32 s1, $0x11  }
0xbb: {  	s0 =	sor.u32 s1, s0  }
0xbc: {  	s0 =	sadd.s32 $0x8F2B, s0  }
0xbd: {  	[sflag:s0] =	ssyncadd.remote.s32 $0x1  }
0xbe: {  	_ =	sfence.sel $0xFFFF  }
0xbf: {  	[dreg:$0x0] =	wrdreg $0xFFFFFFFF;
	(pc) =	sbr.abs _section_cstart, $3  }
0xc0: {  	[dreg:$0x1] =	wrdreg $0xFFFFFFFF  }
0xc1: {  	_ =	task.clear_ibuf [dreg:s6], $0x2FFFF;
	_ =	strace $0x9FFFFFFF  }
0xc2: {  	(tm) =	ssettm $0x7FFFFFFF  }
0xc3: {  	_ =	shalt  }
tec
execute0_lowered:
.L_overlay_start_1:
0x0: {  	(tag) =	ssettag $0x1  }
0x1: {  	s5 =	rddreg [dreg:$0x0];
	s0 =	srdreg.scid  }
0x2: {  	s2 =	rddreg [dreg:$0x1];
	s1 =	stileid.u32;
	s3 =	simm.s32 $0x0  }
0x3: {  	s13 =	simm.s32 $0x80;
	s14 =	simm.s32 $0x100;
	s8 =	smul.u32 $0x2800, s1  }
0x4: {  	s15 =	simm.s32 $0x1;
	s16 =	simm.s32 $0x0;
	s26 =	smul.u32 $0x50000, s1  }
0x5: {  	s6 =	sand.u32 $0x1, s0;
	s0 =	rddreg [dreg:$0x2];
	s30 =	smul.u32 $0x510, s1  }
0x6: {  	[smem:$0x7FF] =	sst s3;
	s4 =	sadd.s32 $0x34400, s5;
	s7 =	smul.u32 $0x5100, s6  }
0x7: {  	s31 =	sshll.u32 s1, $0x6;
	s9 =	smul.u32 $0x28000, s6;
	s6 =	ssub.s32 $0x2, s6  }
0x8: {  	_ =	strace $0x8000004D;
	s28 =	sshrl.u32 s6, $0x1;
	s29 =	sshrl.u32 s26, $0x2  }
0x9: {  	s10 =	sadd.s32 s7, s5;
	s25 =	sadd.s32 s8, s9;
	s8 =	sadd.s32 s8, s5  }
0xa: {  	s11 =	ssub.s32 s6, s28;
	s12 =	sadd.s32 s29, s2;
	s6 =	sor.u32 $0x1C02, s31  }
0xb: {  	s7 =	sadd.s32 s25, s5;
	s5 =	sadd.s32 $0xC400, s8;
	s10 =	sadd.s32 s30, s10  }
0xc: {  	s8 =	smax.u32 s11, $0x1;
	s11 =	sshrl.u32 s12, $0x3;
	s12 =	simm.s32 $0x2  }
0xd: {  	s7 =	sadd.s32 $0x8EE00, s7;
	s9 =	sadd.s32 $0x2200, s10;
	s10 =	sadd.s32 $0x84C00, s10  }
.LBB2_1:
0xe: {  	[spmem:s11], [sflag:s6] =	dma.local [hbm:s5], $0x2800  }
0xf: {  	_ =	swait.ge [sflag:s12], $0x2800  }
0x10: {  	[sflag:s12] =	ssyncset.done $0x0  }
0x11: {  	[sflag:s12] =	ssyncadd.s32 $0xFFFFD800  }
0x12: {  	s17 =	sadd.s32 $0x0, s10;
	[bflag:$0x0] =	sbarrier.arrive $0xFFFF  }
0x13: {  	[tilespmem:s3], [sflag:$0x2] =	stream.linear.gather [hbm4b:s17+s3], $0x80, $0x38;
	[tilespmem:$0x18100] =	vst v63  }
0x14: {  	_ =	swait.ge [sflag:s12], $0x80  }
0x15: {  	[sflag:s12] =	ssyncset.done $0x0  }
0x16: {  	s31 =	sadd.s32 $0x0, s9;
	[sflag:s12] =	ssyncadd.s32 $0xFFFFFF80  }
0x17: {  	[tilespmem:s13], [sflag:$0x2] =	stream.linear.gather [hbm4b:s31+s3], $0x80, $0x38;
	[tilespmem:$0x18100] =	vst v63  }
0x18: {  	_ =	swait.ge [sflag:s12], $0x80  }
0x19: {  	[sflag:s12] =	ssyncset.done $0x0  }
0x1a: {  	[sflag:s12] =	ssyncadd.s32 $0xFFFFFF80  }
0x1b: {  	[tilespmem:s14], [sflag:$0x1] =	stream.indirect.gather [hbm4b:s4+s13], $0x80, s3, s13, $0xb8;
	[tilespmem:$0x18100] =	vst v63  }
0x1c: {  	_ =	swait.ge [sflag:s15], $0x4000  }
0x1d: {  	[sflag:s15] =	ssyncset.done $0x0  }
0x1e: {  	[sflag:s15] =	ssyncadd.s32 $0xFFFFC000  }
0x1f: {  	[spmem:s2] =	stream.indirect.scatter.add.f32 [tilespmem:s14], [sflag:$0x2], $0x80, s13, s13, $0xb8;
	[tilespmem:$0x18100] =	vst v63  }
0x20: {  	_ =	swait.ge [sflag:s12], $0x4000  }
0x21: {  	s18 =	simm.s32 $0x20;
	s17 =	simm.s32 $0x10;
	[sflag:s12] =	ssyncset.done $0x0  }
.LBB2_2:
0x22: {  	s19 =	sadd.s32 s17, s10  }
0x23: {  	[sflag:s12] =	ssyncadd.s32 $0xFFFFC000;
	s20 =	smov.u32 s18;
	s21 =	sadd.s32 $0x10, s18  }
0x24: {  	[tilespmem:s3], [sflag:$0x2] =	stream.linear.gather [hbm4b:s19+s3], $0x80, $0x38;
	[tilespmem:$0x18100] =	vst v63  }
0x25: {  	p0 =	sne.s32 s18, $0x500;
	_ =	swait.ge [sflag:s12], $0x80  }
0x26: {  	[sflag:s12] =	ssyncset.done $0x0  }
0x27: {  	s18 =	sadd.s32 s17, s9;
	s17 =	smov.u32 s20;
	[sflag:s12] =	ssyncadd.s32 $0xFFFFFF80  }
0x28: {  	[tilespmem:s13], [sflag:$0x2] =	stream.linear.gather [hbm4b:s18+s3], $0x80, $0x38;
	[tilespmem:$0x18100] =	vst v63  }
0x29: {  	_ =	swait.ge [sflag:s12], $0x80  }
0x2a: {  	[sflag:s12] =	ssyncset.done $0x0  }
0x2b: {  	[sflag:s12] =	ssyncadd.s32 $0xFFFFFF80  }
0x2c: {  	[tilespmem:s14], [sflag:$0x1] =	stream.indirect.gather [hbm4b:s4+s13], $0x80, s3, s13, $0xb8;
	[tilespmem:$0x18100] =	vst v63  }
0x2d: {  	_ =	swait.ge [sflag:s15], $0x4000  }
.Ltmp0:
0x2e: {  	[sflag:s15] =	ssyncset.done $0x0;
	(pc) =	sbr.rel @p0 .LBB2_2-.Ltmp0, $4  }
0x2f: {  	[sflag:s15] =	ssyncadd.s32 $0xFFFFC000  }
0x30: {  	[spmem:s2] =	stream.indirect.scatter.add.f32 [tilespmem:s14], [sflag:$0x2], $0x80, s13, s13, $0xb8;
	[tilespmem:$0x18100] =	vst v63  }
0x31: {  	_ =	swait.ge [sflag:s12], $0x4000  }
0x32: {  	s18 =	smov.u32 s21;
	[sflag:s12] =	ssyncset.done $0x0  }
0x33: {  	s18 =	sadd.s32 s17, s10;
	[sflag:s12] =	ssyncadd.s32 $0xFFFFC000  }
0x34: {  	[tilespmem:s3], [sflag:$0x2] =	stream.linear.gather [hbm4b:s18+s3], $0x80, $0x38;
	[tilespmem:$0x18100] =	vst v63  }
0x35: {  	_ =	swait.ge [sflag:s12], $0x80  }
0x36: {  	[sflag:s12] =	ssyncset.done $0x0  }
0x37: {  	s31 =	sadd.s32 s17, s9;
	[sflag:s12] =	ssyncadd.s32 $0xFFFFFF80  }
0x38: {  	[tilespmem:s13], [sflag:$0x2] =	stream.linear.gather [hbm4b:s31+s3], $0x80, $0x38;
	[tilespmem:$0x18100] =	vst v63  }
0x39: {  	_ =	swait.ge [sflag:s12], $0x80  }
0x3a: {  	[sflag:s12] =	ssyncset.done $0x0  }
0x3b: {  	[sflag:s12] =	ssyncadd.s32 $0xFFFFFF80  }
0x3c: {  	[tilespmem:s14], [sflag:$0x1] =	stream.indirect.gather [hbm4b:s4+s13], $0x80, s3, s13, $0xb8;
	[tilespmem:$0x18100] =	vst v63  }
0x3d: {  	_ =	swait.ge [sflag:s15], $0x4000  }
0x3e: {  	[sflag:s15] =	ssyncset.done $0x0  }
0x3f: {  	[sflag:s15] =	ssyncadd.s32 $0xFFFFC000  }
0x40: {  	[spmem:s2] =	stream.indirect.scatter.add.f32 [tilespmem:s14], [sflag:$0x2], $0x80, s13, s13, $0xb8;
	[tilespmem:$0x18100] =	vst v63  }
0x41: {  	_ =	swait.ge [sflag:s12], $0x4000  }
0x42: {  	s16 =	sadd.s32 $0x1, s16;
	[sflag:s12] =	ssyncset.done $0x0  }
0x43: {  	p0 =	sne.s32 s16, s8;
	[sflag:s12] =	ssyncadd.s32 $0xFFFFC000  }
.Ltmp1:
0x44: {  	[bflag:$0x0] =	sbarrier.arrive $0xFFFF;
	(pc) =	sbr.rel @p0 .LBB2_1-.Ltmp1, $4  }
0x45: {  	[hbm:s7], [sflag:s6] =	dma.local [spmem:s11], $0x2800  }
0x46: {  	_ =	swait.ge [sflag:s12], $0x2800  }
0x47: {  	[sflag:s12] =	ssyncset.done $0x0  }
0x48: {  	[sflag:s12] =	ssyncadd.s32 $0xFFFFD800  }
0x49: {  	_ =	sfence.sel $0x180000  }
0x4a: {  	[bflag:$0x0] =	sbarrier.arrive $0xFFFF  }
0x4b: {  	p0 =	sne.s32 s1, $0x0;
	_ =	strace $0x9000004D  }
0x4c: {  	s0 =	sadd.s32 @!p0 $0x100000, s0;
	[bflag:$0x2] =	sbarrier.arrive $0xFFFF  }
0x4d: {  	[sflag:s0] =	ssyncadd.tile.s32 @!p0 $0x1;
	_ =	shalt  }
.Lfunc_end2:
_tile_overlayer_lowered:
.L_overlay_start_2:
0x4e: {  	(tag) =	ssettag $0x2  }
0x4f: {  	s0 =	rddreg [dreg:$0x0];
	s2 =	stileid.u32  }
0x50: {  	s1 =	rddreg [dreg:$0x1];
	p0 =	sne.s32 s2, $0x0  }
0x51: {  	s3 =	rddreg [dreg:$0x2];
	[bflag:$0x3] =	sbarrier.arrive $0xFFFF;
	s2 =	simm.s32 @!p0 $0x1C02  }
0x52: {  	[timem:s3], [sflag:s2] =	dma.local @!p0 [hbm:s0], s1  }
0x53: {  	s0 =	simm.s32 @!p0 $0x2  }
0x54: {  	_ =	swait.ge @!p0 [sflag:s0], s1  }
0x55: {  	s1 =	ssub.s32 @!p0 $0x0, s1;
	[sflag:s0] =	ssyncset.done @!p0 $0x0  }
0x56: {  	[sflag:s0] =	ssyncadd.s32 @!p0 s1  }
0x57: {  	[bflag:$0x3] =	sbarrier.arrive $0xFFFF  }
0x58: {  	_ =	shalt  }

// kernel: kernel.8.cloned.1.call-start
scs
__scs_entry_jumppad:
0x0: {  	(pc) =	sbr.rel $0x88, $3  }
0x1: {  	(tag) =	ssettag $0x0;
	lr =	simm.s32 $0x1  }
0x2: {  	[smem:$0x3F98] =	sst lr;
	_ =	strace $0xD0000000  }
0x3: {  	_ = 	snop  }
0x4: {  	_ = 	snop  }
0x5: {  	_ = 	snop  }
0x6: {  	_ = 	snop  }
0x7: {  	_ = 	snop  }
__scs_overlays_trampoline_lowered:
0x8: {  	[smem:$0x3FA7] =	sst s0  }
0x9: {  	[smem:$0x3FA8] =	sst s1  }
0xa: {  	[smem:$0x3FA9] =	sst s2  }
0xb: {  	[smem:$0x3FAA] =	sst s3  }
0xc: {  	[smem:$0x3FAB] =	sst s4  }
0xd: {  	[smem:$0x3FAC] =	sst s5  }
0xe: {  	[smem:$0x3FAD] =	sst s6  }
0xf: {  	[smem:$0x3FAE] =	sst s7  }
0x10: {  	[smem:$0x3FAF] =	sst s8  }
0x11: {  	[smem:$0x3FB0] =	sst s9;
	s0 =	simm.s32 @!p0 $0x0  }
0x12: {  	s1 =	sld [smem:$0x3F96];
	s0 =	simm.s32 @p0 $0x1  }
0x13: {  	[smem:$0x3FB1] =	sst s0;
	s0 =	simm.s32 @!p1 $0x0  }
0x14: {  	s2 =	sld [smem:$0x3F95];
	s0 =	simm.s32 @p1 $0x1  }
0x15: {  	[smem:$0x3FB2] =	sst s0;
	s0 =	simm.s32 @!p2 $0x0  }
0x16: {  	s3 =	sld [smem:$0x3FDB];
	s0 =	simm.s32 @p2 $0x1  }
0x17: {  	s4 =	simm.s32 $0x1BF5;
	[smem:$0x3FB4] =	sst s0  }
0x18: {  	s0 =	sld [smem:$0x3F97];
	_ =	swait.ge [sflag:s4], $0x0  }
0x19: {  	s7 =	sld [smem:$0x3F98]  }
0x1a: {  	s8 =	sadd.s32 $0xFFFFE003, lr  }
0x1b: {  	s9 =	sadd.s32 $0xFFFFFEF7, lr;
	s5 =	simm.s32 $0xFFFFFFFF;
	p2 =	slt.u32 s8, $0xFFFFF086  }
0x1c: {  	p1 =	slt.u32 s9, $0xF7A;
	s5 =	simm.s32 @!p2 $0x0  }
0x1d: {  	s5 =	simm.s32 @p1 $0x1;
	p0 =	seq.s32 s7, s2  }
0x1e: {  	s7 =	smul.u32 @!p0 $0xF7A, s2;
	p2 =	seq.s32 @!p0 s5, $0x0  }
0x1f: {  	s9 =	smul.u32 $0xF7A, s1;
	s8 =	simm.s32 @!p0 $0x1BF5;
	p2 =	por !p2, p0  }
0x20: {  	[sflag:s8] =	ssyncset.s32 @!p0 $0xFFFFF086;
	s6 =	sadd.s32 @!p0 s3, s7;
	s7 =	simm.s32 @!p0 $0x108  }
0x21: {  	s3 =	sadd.s32 s3, s9;
	s6 =	sadd.s32 @!p0 $0x88, s6;
	s7 =	simm.s32 @p2 $0x1082  }
0x22: {  	[simem:s7], [sflag:s8] =	dma.local @!p0 [hbm:s6], $0xF7A  }
0x23: {  	s9 =	sor.u32 $0xD0000000, s2;
	s6 =	simm.s32 $0x108;
	_ =	swait.ge @!p0 [sflag:s8], $0x0  }
0x24: {  	s3 =	sadd.s32 $0x88, s3;
	s6 =	simm.s32 @!p1 $0x1082;
	[sflag:s4] =	ssyncset.s32 $0xFFFFF086  }
0x25: {  	[simem:s6], [sflag:s4] =	dma.local [hbm:s3], $0xF7A  }
0x26: {  	[smem:$0x3F98] =	sst s1;
	(tag) =	ssettag s2;
	_ =	strace s9  }
0x27: {  	s1 =	sld [smem:$0x3FA8]  }
0x28: {  	s2 =	sld [smem:$0x3FA9]  }
0x29: {  	s4 =	sld [smem:$0x3FAB]  }
0x2a: {  	p0 =	seq.s32 s5, $0x0;
	s5 =	sld [smem:$0x3FAC]  }
0x2b: {  	s6 =	sld [smem:$0x3FAD]  }
0x2c: {  	s7 =	sld [smem:$0x3FAE]  }
0x2d: {  	s3 =	simm.s32 $0x108;
	s8 =	sld [smem:$0x3FAF]  }
0x2e: {  	s3 =	simm.s32 @!p0 $0x1082;
	s9 =	sld [smem:$0x3FB0]  }
0x2f: {  	lr =	sadd.s32 s0, s3;
	s0 =	sld [smem:$0x3FA7]  }
0x30: {  	s3 =	sld [smem:$0x3FAA]  }
0x31: {  	[smem:$0x3FB3] =	sst s10  }
0x32: {  	s10 =	sld [smem:$0x3FB1];
	_ =	sdelay $0x3  }
0x33: {  	p0 =	seq.s32 s10, $0x1;
	s10 =	sld [smem:$0x3FB3];
	_ =	sdelay $0x3  }
0x34: {  	[smem:$0x3FB3] =	sst s10  }
0x35: {  	s10 =	sld [smem:$0x3FB2];
	_ =	sdelay $0x3  }
0x36: {  	p1 =	seq.s32 s10, $0x1;
	s10 =	sld [smem:$0x3FB3];
	_ =	sdelay $0x3  }
0x37: {  	[smem:$0x3FB3] =	sst s10  }
0x38: {  	s10 =	sld [smem:$0x3FB4]  }
0x39: {  	_ = 	snop;
	(pc) =	sbr.ind lr, $3  }
0x3a: {  	_ = 	snop  }
0x3b: {  	_ = 	snop  }
0x3c: {  	p2 =	seq.s32 s10, $0x1;
	s10 =	sld [smem:$0x3FB3]  }
0x3d: {  	_ =	shalt  }
0x3e: {  	_ =	shalt  }
0x3f: {  	_ =	shalt  }
0x40: {  	_ =	shalt  }
0x41: {  	_ =	shalt  }
0x42: {  	_ =	shalt  }
0x43: {  	_ =	shalt  }
0x44: {  	_ =	shalt  }
0x45: {  	_ =	shalt  }
0x46: {  	_ =	shalt  }
0x47: {  	_ =	shalt  }
0x48: {  	_ =	shalt  }
0x49: {  	_ =	shalt  }
0x4a: {  	_ =	shalt  }
0x4b: {  	_ =	shalt  }
0x4c: {  	_ =	shalt  }
0x4d: {  	_ =	shalt  }
0x4e: {  	_ =	shalt  }
0x4f: {  	_ =	shalt  }
0x50: {  	_ =	shalt  }
0x51: {  	_ =	shalt  }
0x52: {  	_ =	shalt  }
0x53: {  	_ =	shalt  }
0x54: {  	_ =	shalt  }
0x55: {  	_ =	shalt  }
0x56: {  	_ =	shalt  }
0x57: {  	_ =	shalt  }
0x58: {  	_ =	shalt  }
0x59: {  	_ =	shalt  }
0x5a: {  	_ =	shalt  }
0x5b: {  	_ =	shalt  }
0x5c: {  	_ =	shalt  }
0x5d: {  	_ =	shalt  }
0x5e: {  	_ =	shalt  }
0x5f: {  	_ =	shalt  }
0x60: {  	_ =	shalt  }
0x61: {  	_ =	shalt  }
0x62: {  	_ =	shalt  }
0x63: {  	_ =	shalt  }
0x64: {  	_ =	shalt  }
0x65: {  	_ =	shalt  }
0x66: {  	_ =	shalt  }
0x67: {  	_ =	shalt  }
0x68: {  	_ =	shalt  }
0x69: {  	_ =	shalt  }
0x6a: {  	_ =	shalt  }
0x6b: {  	_ =	shalt  }
0x6c: {  	_ =	shalt  }
0x6d: {  	_ =	shalt  }
0x6e: {  	_ =	shalt  }
0x6f: {  	_ =	shalt  }
0x70: {  	_ =	shalt  }
0x71: {  	_ =	shalt  }
0x72: {  	_ =	shalt  }
0x73: {  	_ =	shalt  }
0x74: {  	_ =	shalt  }
0x75: {  	_ =	shalt  }
0x76: {  	_ =	shalt  }
0x77: {  	_ =	shalt  }
0x78: {  	_ =	shalt  }
0x79: {  	_ =	shalt  }
0x7a: {  	_ =	shalt  }
0x7b: {  	_ =	shalt  }
0x7c: {  	_ =	shalt  }
0x7d: {  	_ =	shalt  }
0x7e: {  	_ =	shalt  }
0x7f: {  	_ =	shalt  }
0x80: {  	_ =	shalt  }
0x81: {  	_ =	shalt  }
0x82: {  	_ =	shalt  }
0x83: {  	_ =	shalt  }
0x84: {  	_ =	shalt  }
0x85: {  	_ =	shalt  }
0x86: {  	_ =	shalt  }
0x87: {  	_ =	shalt  }
.Lfunc_end0:
.L_simem_size_0:
called_computation_lowered:
.L_overlay_start_0:
0x88: {  	s2 =	sld [smem:$0x3FD9]  }
0x89: {  	s3 =	sld [smem:$0x3FFE];
	_ =	sdelay $0x1  }
0x8a: {  	s1 =	srdreg.scid  }
0x8b: {  	s0 =	sand.u32 $0x1, s1  }
0x8c: {  	s16 =	sshll.u32 s0, $0xA;
	s2 =	sadd.s32 s3, s2  }
0x8d: {  	s2 =	sadd.s32 s2, s16  }
0x8e: {  	[smem:$0x3FBF] =	sst s2  }
0x8f: {  	_ = 	snop  }
0x90: {  	(tm) =	ssettm $0x1  }
0x91: {  	s17 =	sld [smem:$0x3FFB];
	_ =	sdelay $0x3  }
0x92: {  	_ =	strace s17  }
0x93: {  	s2 =	sld [smem:$0x3FFC];
	_ =	sdelay $0x3  }
0x94: {  	_ =	strace s2  }
0x95: {  	s2 =	sld [smem:$0x3FFD];
	_ =	sdelay $0x3  }
0x96: {  	_ =	strace s2  }
0x97: {  	_ =	strace $0x8FFFFFFF  }
0x98: {  	s18 =	sld [smem:$0x3FDB];
	_ =	sdelay $0x1  }
0x99: {  	s19 =	simm.s32 $_scs_section_size  }
0x9a: {  	s4 =	simm.s32 $_size__tile_overlayer_lowered;
	s5 =	simm.s32 $_tile_overlayer_lowered  }
0x9b: {  	s22 =	simm.s32 $0x1BFF;
	s21 =	sshll.u32 s5, $0x1;
	s2 =	sadd.s32 s19, s18  }
0x9c: {  	s6 =	simm.s32 $0x0;
	s20 =	sshll.u32 s4, $0x1;
	s4 =	sadd.s32 s21, s2  }
0x9d: {  	[timem:s6], [sflag:s22] =	dma.local [hbm:s4], s20  }
0x9e: {  	_ =	swait.ge [sflag:s22], s20  }
0x9f: {  	s3 =	ssub.s32 $0x0, s20;
	[sflag:s22] =	ssyncset.done $0x0  }
0xa0: {  	[sflag:s22] =	ssyncadd.s32 s3;
	_ =	sdelay $0x1  }
0xa1: {  	s23 =	simm.s32 $0x1B8B  }
0xa2: {  	_ =	swait.ge [sflag:s23], $0x1  }
0xa3: {  	[sflag:s23] =	ssyncset.done $0x0  }
0xa4: {  	s25 =	simm.s32 $0x1B8E;
	s24 =	sld [smem:$0x3FFE];
	[sflag:s23] =	ssyncadd.s32 $0xFFFFFFFF  }
0xa5: {  	s26 =	simm.s32 $execute0_lowered;
	[smem:$0x3FD2] =	sst s25  }
0xa6: {  	s4 =	sshll.u32 s26, $0x1;
	_ =	strace $0x80000046;
	[dreg:$0x1] =	wrdreg $0xFFFFFFFF  }
0xa7: {  	s28 =	simm.s32 $_size_execute0_lowered;
	s2 =	sadd.s32 s2, s4;
	[dreg:$0x0] =	wrdreg $0x0  }
0xa8: {  	s4 =	sshll.u32 s28, $0x1;
	[dreg:$0x2] =	wrdreg s2  }
0xa9: {  	[dreg:$0x3] =	wrdreg s4  }
0xaa: {  	[dreg:$0x4] =	wrdreg $0xC0  }
0xab: {  	_ =	task [dreg:s6], $0x5FFFF  }
0xac: {  	[dreg:$0x1] =	wrdreg $0xFFFFFFFF  }
0xad: {  	[dreg:$0x0] =	wrdreg $0x60  }
0xae: {  	[dreg:$0x2] =	wrdreg s24  }
0xaf: {  	[dreg:$0x3] =	wrdreg $0x40800  }
0xb0: {  	[dreg:$0x4] =	wrdreg $0x9  }
0xb1: {  	_ =	task.clear_ibuf [dreg:s6], $0x5FFFF;
	_ =	strace $0x90000046  }
0xb2: {  	s29 =	simm.s32 $0x9;
	_ =	strace $0x80000048  }
0xb3: {  	_ =	swait.ge [sflag:s29], $0x1  }
0xb4: {  	[sflag:s29] =	ssyncadd.s32 $0xFFFFFFFF  }
0xb5: {  	_ =	strace $0x90000048  }
0xb6: {  	_ =	sfence  }
0xb7: {  	s30 =	sld [smem:$0x0];
	_ =	sdelay $0x2  }
0xb8: {  	s31 =	sshll.u32 s1, $0xD;
	s1 =	sshrl.u32 s1, $0x2  }
0xb9: {  	s3 =	sand.u32 $0x4000, s31;
	s1 =	sadd.s32 s1, s30  }
0xba: {  	s0 =	sor.u32 s3, s0;
	s1 =	sshll.u32 s1, $0x11  }
0xbb: {  	s0 =	sor.u32 s1, s0  }
0xbc: {  	s0 =	sadd.s32 $0x8F2B, s0  }
0xbd: {  	[sflag:s0] =	ssyncadd.remote.s32 $0x1  }
0xbe: {  	_ =	sfence.sel $0xFFFF  }
0xbf: {  	[dreg:$0x0] =	wrdreg $0xFFFFFFFF;
	(pc) =	sbr.abs _section_cstart, $3  }
0xc0: {  	[dreg:$0x1] =	wrdreg $0xFFFFFFFF  }
0xc1: {  	_ =	task.clear_ibuf [dreg:s6], $0x2FFFF;
	_ =	strace $0x9FFFFFFF  }
0xc2: {  	(tm) =	ssettm $0x7FFFFFFF  }
0xc3: {  	_ =	shalt  }
tec
execute0_lowered:
.L_overlay_start_1:
0x0: {  	(tag) =	ssettag $0x1  }
0x1: {  	s5 =	rddreg [dreg:$0x0];
	s3 =	srdreg.scid  }
0x2: {  	s1 =	rddreg [dreg:$0x1];
	s6 =	sand.u32 $0x1, s3  }
0x3: {  	s3 =	stileid.u32;
	s4 =	smul.u32 $0x5100, s6  }
0x4: {  	s0 =	rddreg [dreg:$0x2];
	s2 =	simm.s32 $0x0;
	s7 =	smul.u32 $0x2800, s3  }
0x5: {  	[smem:$0x7FF] =	sst s2;
	s9 =	smul.u32 $0x28000, s6  }
0x6: {  	_ =	strace $0x80000047;
	s6 =	ssub.s32 $0x2, s6;
	s11 =	smul.u32 $0x50000, s3  }
0x7: {  	s12 =	smul.u32 $0x510, s3;
	s31 =	sshll.u32 s3, $0x6;
	s29 =	sshrl.u32 s6, $0x1  }
0x8: {  	s8 =	sadd.s32 s4, s5;
	s4 =	sadd.s32 $0x34400, s5;
	s10 =	sadd.s32 s7, s5  }
0x9: {  	s7 =	sadd.s32 s7, s9;
	s9 =	ssub.s32 s6, s29;
	s30 =	sshrl.u32 s11, $0x2  }
0xa: {  	s11 =	sor.u32 $0x1C01, s31;
	s7 =	sadd.s32 s7, s5;
	s13 =	sadd.s32 s30, s1  }
0xb: {  	s5 =	sadd.s32 $0xC400, s10;
	s8 =	sadd.s32 s12, s8;
	s10 =	simm.s32 $0x1  }
0xc: {  	s6 =	sadd.s32 $0x34C00, s7;
	s7 =	smax.u32 s9, $0x1;
	s8 =	sadd.s32 $0x2200, s8  }
0xd: {  	s9 =	simm.s32 $0x80;
	s12 =	sshrl.u32 s13, $0x3;
	s13 =	simm.s32 $0x0  }
.LBB2_1:
0xe: {  	[tilespmem:s9], [sflag:$0x1] =	stream.linear.gather [hbm4b:s4+s2], $0x4000, $0x38;
	[tilespmem:$0x18080] =	vst v63  }
0xf: {  	_ =	swait.ge [sflag:s10], $0x4000  }
0x10: {  	[sflag:s10] =	ssyncset.done $0x0  }
0x11: {  	[sflag:s10] =	ssyncadd.s32 $0xFFFFC000  }
0x12: {  	[spmem:s12], [sflag:s11] =	dma.local [hbm:s5], $0x2800  }
0x13: {  	_ =	swait.ge [sflag:s10], $0x2800  }
0x14: {  	[sflag:s10] =	ssyncset.done $0x0  }
0x15: {  	[sflag:s10] =	ssyncadd.s32 $0xFFFFD800  }
0x16: {  	s14 =	sadd.s32 $0x0, s8;
	[bflag:$0x0] =	sbarrier.arrive $0xFFFF  }
0x17: {  	[tilespmem:s2], [sflag:$0x1] =	stream.linear.gather [hbm4b:s14+s2], $0x80, $0x38;
	[tilespmem:$0x18080] =	vst v63  }
0x18: {  	_ =	swait.ge [sflag:s10], $0x80  }
0x19: {  	[sflag:s10] =	ssyncset.done $0x0  }
0x1a: {  	[sflag:s10] =	ssyncadd.s32 $0xFFFFFF80  }
0x1b: {  	[spmem:s1] =	stream.indirect.scatter.add.f32 [tilespmem:s9], [sflag:$0x1], $0x80, s2, s9, $0xb8;
	[tilespmem:$0x18080] =	vst v63  }
0x1c: {  	_ =	swait.ge [sflag:s10], $0x4000  }
0x1d: {  	s15 =	simm.s32 $0x20;
	s14 =	simm.s32 $0x10;
	[sflag:s10] =	ssyncset.done $0x0  }
.LBB2_2:
0x1e: {  	s16 =	sadd.s32 s14, s8  }
0x1f: {  	[sflag:s10] =	ssyncadd.s32 $0xFFFFC000;
	s14 =	smov.u32 s15;
	s17 =	sadd.s32 $0x10, s15  }
0x20: {  	[tilespmem:s2], [sflag:$0x1] =	stream.linear.gather [hbm4b:s16+s2], $0x80, $0x38;
	[tilespmem:$0x18080] =	vst v63  }
0x21: {  	p0 =	sne.s32 s15, $0x500;
	_ =	swait.ge [sflag:s10], $0x80  }
.Ltmp0:
0x22: {  	[sflag:s10] =	ssyncset.done $0x0;
	(pc) =	sbr.rel @p0 .LBB2_2-.Ltmp0, $4  }
0x23: {  	[sflag:s10] =	ssyncadd.s32 $0xFFFFFF80  }
0x24: {  	[spmem:s1] =	stream.indirect.scatter.add.f32 [tilespmem:s9], [sflag:$0x1], $0x80, s2, s9, $0xb8;
	[tilespmem:$0x18080] =	vst v63  }
0x25: {  	_ =	swait.ge [sflag:s10], $0x4000  }
0x26: {  	s15 =	smov.u32 s17;
	[sflag:s10] =	ssyncset.done $0x0  }
0x27: {  	s14 =	sadd.s32 s14, s8;
	[sflag:s10] =	ssyncadd.s32 $0xFFFFC000  }
0x28: {  	[tilespmem:s2], [sflag:$0x1] =	stream.linear.gather [hbm4b:s14+s2], $0x80, $0x38;
	[tilespmem:$0x18080] =	vst v63  }
0x29: {  	_ =	swait.ge [sflag:s10], $0x80  }
0x2a: {  	[sflag:s10] =	ssyncset.done $0x0  }
0x2b: {  	[sflag:s10] =	ssyncadd.s32 $0xFFFFFF80  }
0x2c: {  	[spmem:s1] =	stream.indirect.scatter.add.f32 [tilespmem:s9], [sflag:$0x1], $0x80, s2, s9, $0xb8;
	[tilespmem:$0x18080] =	vst v63  }
0x2d: {  	_ =	swait.ge [sflag:s10], $0x4000  }
0x2e: {  	s13 =	sadd.s32 $0x1, s13;
	[sflag:s10] =	ssyncset.done $0x0  }
0x2f: {  	p0 =	sne.s32 s13, s7;
	[sflag:s10] =	ssyncadd.s32 $0xFFFFC000  }
.Ltmp1:
0x30: {  	[bflag:$0x0] =	sbarrier.arrive $0xFFFF;
	(pc) =	sbr.rel @p0 .LBB2_1-.Ltmp1, $4  }
0x31: {  	[hbm:s6], [sflag:s11] =	dma.local [spmem:s12], $0x2800  }
0x32: {  	_ =	swait.ge [sflag:s10], $0x2800  }
0x33: {  	[sflag:s10] =	ssyncset.done $0x0  }
0x34: {  	[sflag:s10] =	ssyncadd.s32 $0xFFFFD800  }
0x35: {  	_ =	sfence.sel $0x180000  }
0x36: {  	[bflag:$0x0] =	sbarrier.arrive $0xFFFF  }
0x37: {  	p0 =	sne.s32 s3, $0x0;
	_ =	strace $0x90000047  }
0x38: {  	s0 =	sadd.s32 @!p0 $0x100000, s0;
	[bflag:$0x2] =	sbarrier.arrive $0xFFFF  }
0x39: {  	[sflag:s0] =	ssyncadd.tile.s32 @!p0 $0x1;
	_ =	shalt  }
.Lfunc_end2:
_tile_overlayer_lowered:
.L_overlay_start_2:
0x3a: {  	(tag) =	ssettag $0x2  }
0x3b: {  	s0 =	rddreg [dreg:$0x0];
	s2 =	stileid.u32  }
0x3c: {  	s1 =	rddreg [dreg:$0x1];
	p0 =	sne.s32 s2, $0x0  }
0x3d: {  	s3 =	rddreg [dreg:$0x2];
	[bflag:$0x3] =	sbarrier.arrive $0xFFFF;
	s2 =	simm.s32 @!p0 $0x1C01  }
0x3e: {  	[timem:s3], [sflag:s2] =	dma.local @!p0 [hbm:s0], s1  }
0x3f: {  	s0 =	simm.s32 @!p0 $0x1  }
0x40: {  	_ =	swait.ge @!p0 [sflag:s0], s1  }
0x41: {  	s1 =	ssub.s32 @!p0 $0x0, s1;
	[sflag:s0] =	ssyncset.done @!p0 $0x0  }
0x42: {  	[sflag:s0] =	ssyncadd.s32 @!p0 s1  }
0x43: {  	[bflag:$0x3] =	sbarrier.arrive $0xFFFF  }
0x44: {  	_ =	shalt  }

</sc_bundles>
